<compile_context>
chip_gen: v7x
topology: tpu7x:2x2x1
jax: 0.10.2.dev20260603
libtpu: 0.0.44.dev20260713+nightly
codegen_flags: <defaults>
</compile_context>

<pallas_src>
import jax
import jax.numpy as jnp
from jax import lax
from jax.experimental import pallas as pl
from jax.experimental.pallas import tpu as pltpu
from jax.experimental.pallas import tpu_sc as plsc

N_NODES = 10000
N_EDGES = 320000
D = 128
NC = 2
NS = 16
E_PER_TILE = N_EDGES // (NC * NS)
CHUNK = 80
N_CHUNKS = E_PER_TILE // CHUNK
PH1 = 63
PH2 = N_CHUNKS - PH1
STG = PH1 * CHUNK
N_PAD = 10240
ROWS_PER_TILE = N_PAD // NS


def _sc_agg_body(edges_hbm, feat_hbm, out0_hbm, out1_hbm,
                 src_v, dst_v, rows_a, rows_b, rows_c, acc,
                 ga, gb, gc, sa, sb, sc):
    c = lax.axis_index("c")
    s = lax.axis_index("s")
    wid = c * NS + s
    ebase = pl.multiple_of(wid * E_PER_TILE, 8)
    dbase = pl.multiple_of(N_EDGES + wid * E_PER_TILE, 8)

    bufs = (rows_a, rows_b, rows_c)
    gsems = (ga, gb, gc)
    ssems = (sa, sb, sc)

    def _stage(base, n, buf, sem):
        return pltpu.make_async_copy(
            edges_hbm.at[pl.ds(base, n)], buf.at[pl.ds(0, n)], sem)

    def _gath(n):
        j = n % 3
        off = pl.multiple_of(n * CHUNK, 8)
        return pltpu.make_async_copy(
            feat_hbm.at[src_v.at[pl.ds(off, CHUNK)]], bufs[j], gsems[j])

    def _gath_d(m, j):
        off = pl.multiple_of(m * CHUNK, 8)
        return pltpu.make_async_copy(
            feat_hbm.at[src_v.at[pl.ds(off, CHUNK)]], bufs[j], gsems[j])

    def _sdesc(n):
        j = n % 3
        off = pl.multiple_of(n * CHUNK, 8)
        return pltpu.make_async_copy(
            bufs[j], acc.at[dst_v.at[pl.ds(off, CHUNK)]], ssems[j])

    def _sdesc_d(m, j):
        off = pl.multiple_of(m * CHUNK, 8)
        return pltpu.make_async_copy(
            bufs[j], acc.at[dst_v.at[pl.ds(off, CHUNK)]], ssems[j])

    def _phase(K):
        _gath(0).wait(); _sdesc(0).start(add=True); _gath(2).start()
        _gath(1).wait(); _sdesc(1).start(add=True)
        _sdesc(0).wait(); _gath(3).start()
        _gath(2).wait(); _sdesc(2).start(add=True)
        _sdesc(1).wait(); _gath(4).start()

        n_iter = (K - 7) // 3 + 1
        last_loop_m = 3 * (n_iter - 1) + 5

        def _body(g, carry):
            m = 3 * g + 3
            _gath_d(m, 0).wait(); _sdesc_d(m, 0).start(add=True)
            _sdesc_d(m - 1, 2).wait(); _gath_d(m + 2, 2).start()
            _gath_d(m + 1, 1).wait(); _sdesc_d(m + 1, 1).start(add=True)
            _sdesc_d(m, 0).wait(); _gath_d(m + 3, 0).start()
            _gath_d(m + 2, 2).wait(); _sdesc_d(m + 2, 2).start(add=True)
            _sdesc_d(m + 1, 1).wait(); _gath_d(m + 4, 1).start()
            return carry

        lax.fori_loop(0, n_iter, _body, 0)

        for m in range(last_loop_m + 1, K):
            _gath(m).wait()
            _sdesc(m).start(add=True)
            if m + 2 < K:
                _sdesc(m - 1).wait()
                _gath(m + 2).start()
        for m in range(K - 3, K):
            _sdesc(m).wait()

    cp_s = _stage(ebase, STG, src_v, ga)
    cp_d = _stage(dbase, STG, dst_v, sc)
    cp_s.start()
    cp_d.start()
    cp_s.wait()

    _gath(0).start()
    _gath(1).start()
    zeros16 = jnp.zeros((16,), jnp.float32)

    def _zfill(r, carry):
        for c8 in range(D // 16):
            rows_c[r, pl.ds(c8 * 16, 16)] = zeros16
        return carry

    lax.fori_loop(0, CHUNK, _zfill, 0)
    for k in range(ROWS_PER_TILE // CHUNK):
        off = pl.multiple_of(s * ROWS_PER_TILE + k * CHUNK, 8)
        pltpu.sync_copy(rows_c, acc.at[pl.ds(off, CHUNK)])
    cp_d.wait()
    plsc.subcore_barrier()

    _phase(PH1)

    cp_s2 = _stage(ebase + STG, PH2 * CHUNK, src_v, ga)
    cp_d2 = _stage(dbase + STG, PH2 * CHUNK, dst_v, sc)
    cp_s2.start()
    cp_d2.start()
    cp_s2.wait()
    _gath(0).start()
    _gath(1).start()
    cp_d2.wait()
    _phase(PH2)

    plsc.subcore_barrier()

    @pl.when(c == 0)
    def _():
        pltpu.sync_copy(acc.at[pl.ds(s * ROWS_PER_TILE, ROWS_PER_TILE)],
                        out0_hbm.at[pl.ds(s * ROWS_PER_TILE, ROWS_PER_TILE)])

    @pl.when(c == 1)
    def _():
        pltpu.sync_copy(acc.at[pl.ds(s * ROWS_PER_TILE, ROWS_PER_TILE)],
                        out1_hbm.at[pl.ds(s * ROWS_PER_TILE, ROWS_PER_TILE)])


def _sc_aggregate(edges, features):
    mesh = plsc.VectorSubcoreMesh(core_axis_name="c", subcore_axis_name="s")
    f32 = jnp.float32
    return pl.kernel(
        _sc_agg_body,
        mesh=mesh,
        out_type=[jax.ShapeDtypeStruct((N_PAD, D), f32),
                  jax.ShapeDtypeStruct((N_PAD, D), f32)],
        scratch_types=[
            pltpu.VMEM((STG,), jnp.int32),
            pltpu.VMEM((STG,), jnp.int32),
            pltpu.VMEM((CHUNK, D), f32),
            pltpu.VMEM((CHUNK, D), f32),
            pltpu.VMEM((CHUNK, D), f32),
            pltpu.VMEM_SHARED((N_PAD, D), f32),
            pltpu.SemaphoreType.DMA,
            pltpu.SemaphoreType.DMA,
            pltpu.SemaphoreType.DMA,
            pltpu.SemaphoreType.DMA,
            pltpu.SemaphoreType.DMA,
            pltpu.SemaphoreType.DMA,
        ],
    )(edges, features)


_BM = 5000


def _mm_body(p0_ref, p1_ref, w_ref, b_ref, o_ref):
    a = p0_ref[...] + p1_ref[...]
    o_ref[...] = jnp.dot(a, w_ref[...],
                         preferred_element_type=jnp.float32) + b_ref[...]


def _linear(p0, p1, W, b2d):
    return pl.pallas_call(
        _mm_body,
        grid=(N_NODES // _BM,),
        in_specs=[
            pl.BlockSpec((_BM, D), lambda i: (i, 0)),
            pl.BlockSpec((_BM, D), lambda i: (i, 0)),
            pl.BlockSpec((D, D), lambda i: (0, 0)),
            pl.BlockSpec((1, D), lambda i: (0, 0)),
        ],
        out_specs=pl.BlockSpec((_BM, D), lambda i: (i, 0)),
        out_shape=jax.ShapeDtypeStruct((N_NODES, D), jnp.float32),
    )(p0, p1, W, b2d)


def kernel(features, edge_index, W, b):
    edges = edge_index.astype(jnp.int32).reshape(-1)
    p0, p1 = _sc_aggregate(edges, features)
    return _linear(p0, p1, W, b.reshape(1, D))

# --- scband reference (transcript-rebuilt; emitter-appended) ---
"""Pipeline reference for scband-graph-convolution-layer-10591389352061 (READ-ONLY COPY).

The authoritative reference and input builder live on the scoring server;
editing this copy changes nothing except your own understanding.
"""

import jax, jax.numpy as jnp
import numpy as np

N_NODES = 10000
N_EDGES = 320000
D_IN = 128
D_OUT = 128

def setup_inputs(seed: int = 0) -> dict:
    key = jax.random.key(seed)
    k1, k2, k3, k4 = jax.random.split(key, 4)
    features = jax.random.normal(k1, (N_NODES, D_IN), dtype=jnp.float32)
    edge_index = jax.random.randint(k2, (2, N_EDGES), 0, N_NODES, dtype=jnp.int64)
    # Linear(in_feats, out_feats) params
    bound = 1.0 / np.sqrt(D_IN)
    W = jax.random.uniform(k3, (D_IN, D_OUT), minval=-bound, maxval=bound, dtype=jnp.float32)
    b = jax.random.uniform(k4, (D_OUT,), minval=-bound, maxval=bound, dtype=jnp.float32)
    return {"features": features, "edge_index": edge_index, "W": W, "b": b}

def reference(features, edge_index, W, b):
    # GCN layer: update_all(copy_src -> sum) then NodeUpdateModule (Linear, no activation, no dropout)
    src = edge_index[0]
    dst = edge_index[1]
    msgs = jnp.take(features, src, axis=0)            # copy_src: gather source node features per edge
    agg = jax.ops.segment_sum(msgs, dst, num_segments=N_NODES)  # fn.sum over incoming messages
    h = agg @ W + b                                   # NodeUpdateModule linear; activation=None, dropout=0
    return h

if __name__ == "__main__":
    import jax
    _d = setup_inputs()
    print(jax.jit(kernel)(*tuple(_d.values())))

</pallas_src>

<mosaic_0001>
#map = affine_map<(d0, d1) -> (0)>
#map1 = affine_map<(d0, d1) -> (0, 0)>
module attributes {stable_mosaic.version = 14 : i64} {
  func.func @_sc_agg_body(%arg0: i32, %arg1: i32, %arg2: memref<640000xi32, #tpu.memory_space<hbm>>, %arg3: memref<10000x128xf32, #tpu.memory_space<hbm>>, %arg4: memref<10240x128xf32, #tpu.memory_space<hbm>>, %arg5: memref<10240x128xf32, #tpu.memory_space<hbm>>, %arg6: memref<5040xi32, #tpu.memory_space<vmem>>, %arg7: memref<5040xi32, #tpu.memory_space<vmem>>, %arg8: memref<80x128xf32, #tpu.memory_space<vmem>>, %arg9: memref<80x128xf32, #tpu.memory_space<vmem>>, %arg10: memref<80x128xf32, #tpu.memory_space<vmem>>, %arg11: memref<10240x128xf32, #tpu.memory_space<vmem_shared>>, %arg12: memref<!tpu.dma_semaphore, #tpu.memory_space<semaphore_mem>>, %arg13: memref<!tpu.dma_semaphore, #tpu.memory_space<semaphore_mem>>, %arg14: memref<!tpu.dma_semaphore, #tpu.memory_space<semaphore_mem>>, %arg15: memref<!tpu.dma_semaphore, #tpu.memory_space<semaphore_mem>>, %arg16: memref<!tpu.dma_semaphore, #tpu.memory_space<semaphore_mem>>, %arg17: memref<!tpu.dma_semaphore, #tpu.memory_space<semaphore_mem>>) attributes {dimension_semantics = [#tpu.dimension_semantics<core_parallel>, #tpu.dimension_semantics<subcore_parallel>], iteration_bounds = array<i64: 2, 16>, scalar_prefetch = 0 : i64, scratch_operands = 12 : i64, tpu.core_type = #tpu.core_type<sc_vector_subcore>, window_params = [{transform_indices = #map}, {transform_indices = #map1}, {transform_indices = #map1}, {transform_indices = #map1}]} {
    %mul3A = arith.constant 16 : i32
    %mul3A_0 = arith.muli %arg0, %mul3A : i32
    %add3A = arith.addi %mul3A_0, %arg1 : i32
    %mul3A_1 = arith.constant 10000 : i32
    %mul3A_2 = arith.muli %add3A, %mul3A_1 : i32
    %multiple_of3A = tpu.assume_multiple %mul3A_2, 8 : i32
    %mul3A_3 = arith.constant 10000 : i32
    %mul3A_4 = arith.muli %add3A, %mul3A_3 : i32
    %add3A_5 = arith.constant 320000 : i32
    %add3A_6 = arith.addi %add3A_5, %mul3A_4 : i32
    %multiple_of3A_7 = tpu.assume_multiple %add3A_6, 8 : i32
    %dma_start3A = arith.constant 0 : i32
    %dma_start3A_8 = tpu.memref_slice %arg6[%dma_start3A] : memref<5040xi32, #tpu.memory_space<vmem>> -> memref<5040xi32, #tpu.memory_space<vmem>>
    %dma_start3A_9 = tpu.memref_slice %arg2[%multiple_of3A] : memref<640000xi32, #tpu.memory_space<hbm>> -> memref<5040xi32, #tpu.memory_space<hbm>>
    %dma_start3A_10 = arith.constant 0 : i32
    %dma_start3A_11 = tpu.memref_slice %arg6[%dma_start3A_10] : memref<5040xi32, #tpu.memory_space<vmem>> -> memref<5040xi32, #tpu.memory_space<vmem>>
    %dma_start3A_12 = tpu.memref_slice %arg2[%multiple_of3A] : memref<640000xi32, #tpu.memory_space<hbm>> -> memref<5040xi32, #tpu.memory_space<hbm>>
    tpu.enqueue_dma source(%dma_start3A_12 : memref<5040xi32, #tpu.memory_space<hbm>>) target(%dma_start3A_11 : memref<5040xi32, #tpu.memory_space<vmem>>) target_semaphore(%arg12 : memref<!tpu.dma_semaphore, #tpu.memory_space<semaphore_mem>>)
    %dma_start3A_13 = arith.constant 0 : i32
    %dma_start3A_14 = tpu.memref_slice %arg7[%dma_start3A_13] : memref<5040xi32, #tpu.memory_space<vmem>> -> memref<5040xi32, #tpu.memory_space<vmem>>
    %dma_start3A_15 = tpu.memref_slice %arg2[%multiple_of3A_7] : memref<640000xi32, #tpu.memory_space<hbm>> -> memref<5040xi32, #tpu.memory_space<hbm>>
    %dma_start3A_16 = arith.constant 0 : i32
    %dma_start3A_17 = tpu.memref_slice %arg7[%dma_start3A_16] : memref<5040xi32, #tpu.memory_space<vmem>> -> memref<5040xi32, #tpu.memory_space<vmem>>
    %dma_start3A_18 = tpu.memref_slice %arg2[%multiple_of3A_7] : memref<640000xi32, #tpu.memory_space<hbm>> -> memref<5040xi32, #tpu.memory_space<hbm>>
    tpu.enqueue_dma source(%dma_start3A_18 : memref<5040xi32, #tpu.memory_space<hbm>>) target(%dma_start3A_17 : memref<5040xi32, #tpu.memory_space<vmem>>) target_semaphore(%arg17 : memref<!tpu.dma_semaphore, #tpu.memory_space<semaphore_mem>>)
    %dma_wait3A = arith.constant 0 : i32
    %dma_wait3A_19 = tpu.memref_slice %arg6[%dma_wait3A] : memref<5040xi32, #tpu.memory_space<vmem>> -> memref<5040xi32, #tpu.memory_space<vmem>>
    %dma_wait3A_20 = tpu.memref_slice %arg2[%multiple_of3A] : memref<640000xi32, #tpu.memory_space<hbm>> -> memref<5040xi32, #tpu.memory_space<hbm>>
    %dma_wait3A_21 = arith.constant 0 : i32
    %dma_wait3A_22 = tpu.memref_slice %arg6[%dma_wait3A_21] : memref<5040xi32, #tpu.memory_space<vmem>> -> memref<5040xi32, #tpu.memory_space<vmem>>
    %dma_wait3A_23 = tpu.memref_slice %arg2[%multiple_of3A] : memref<640000xi32, #tpu.memory_space<hbm>> -> memref<5040xi32, #tpu.memory_space<hbm>>
    tpu.wait_dma2 semaphore(%arg12 : memref<!tpu.dma_semaphore, #tpu.memory_space<semaphore_mem>>) src(%dma_wait3A_23 : memref<5040xi32, #tpu.memory_space<hbm>>) dst(%dma_wait3A_22 : memref<5040xi32, #tpu.memory_space<vmem>>)
    %multiple_of3A_24 = arith.constant 0 : i32
    %multiple_of3A_25 = tpu.assume_multiple %multiple_of3A_24, 8 : i32
    %dma_start3A_26 = tpu.memref_slice %arg6[%multiple_of3A_25] : memref<5040xi32, #tpu.memory_space<vmem>> -> memref<80xi32, #tpu.memory_space<vmem>>
    %dma_start3A_27 = arith.constant 0 : i32
    %dma_start3A_28 = arith.constant 0 : i32
    %dma_start3A_29 = tpu.memref_slice %arg3[%dma_start3A_27, %dma_start3A_28] : memref<10000x128xf32, #tpu.memory_space<hbm>> -> memref<10000x128xf32, #tpu.memory_space<hbm>>
    tpu.enqueue_indirect_dma source(%dma_start3A_29 : memref<10000x128xf32, #tpu.memory_space<hbm>>) target(%arg8 : memref<80x128xf32, #tpu.memory_space<vmem>>) offsets(%dma_start3A_26 : memref<80xi32, #tpu.memory_space<vmem>>) semaphore(%arg12 : memref<!tpu.dma_semaphore, #tpu.memory_space<semaphore_mem>>)
    %multiple_of3A_30 = arith.constant 80 : i32
    %multiple_of3A_31 = tpu.assume_multiple %multiple_of3A_30, 8 : i32
    %dma_start3A_32 = tpu.memref_slice %arg6[%multiple_of3A_31] : memref<5040xi32, #tpu.memory_space<vmem>> -> memref<80xi32, #tpu.memory_space<vmem>>
    %dma_start3A_33 = arith.constant 0 : i32
    %dma_start3A_34 = arith.constant 0 : i32
    %dma_start3A_35 = tpu.memref_slice %arg3[%dma_start3A_33, %dma_start3A_34] : memref<10000x128xf32, #tpu.memory_space<hbm>> -> memref<10000x128xf32, #tpu.memory_space<hbm>>
    tpu.enqueue_indirect_dma source(%dma_start3A_35 : memref<10000x128xf32, #tpu.memory_space<hbm>>) target(%arg9 : memref<80x128xf32, #tpu.memory_space<vmem>>) offsets(%dma_start3A_32 : memref<80xi32, #tpu.memory_space<vmem>>) semaphore(%arg13 : memref<!tpu.dma_semaphore, #tpu.memory_space<semaphore_mem>>)
    %broadcast_in_dim3A = arith.constant 0.000000e+00 : f32
    %broadcast_in_dim3A_36 = vector.broadcast %broadcast_in_dim3A : f32 to vector<16xf32>
    %scan3A = arith.constant 0 : i32
    %scan3A_37 = arith.constant 0 : i32
    %scan3A_38 = arith.constant 80 : i32
    %scan3A_39 = arith.addi %scan3A_37, %scan3A_38 : i32
    %scan3A_40 = arith.constant 1 : i32
    scf.for %scan3A_388 = %scan3A_37 to %scan3A_39 step %scan3A_40  : i32 {
      %swap3A = arith.index_cast %scan3A_388 : i32 to index
      %swap3A_389 = arith.constant 0 : index
      %swap3A_390 = tpu.vector_load %arg10[%swap3A, %swap3A_389] {strides = array<i32>} : memref<80x128xf32, #tpu.memory_space<vmem>>, vector<1x16xf32>,
      %swap3A_391 = vector.shape_cast %swap3A_390 : vector<1x16xf32> to vector<16xf32>
      %swap3A_392 = vector.shape_cast %broadcast_in_dim3A_36 : vector<16xf32> to vector<1x16xf32>
      tpu.vector_store %arg10[%swap3A, %swap3A_389], %swap3A_392 {strides = array<i32>} : memref<80x128xf32, #tpu.memory_space<vmem>>, vector<1x16xf32>,
      %swap3A_393 = arith.index_cast %scan3A_388 : i32 to index
      %swap3A_394 = arith.constant 16 : index
      %swap3A_395 = tpu.vector_load %arg10[%swap3A_393, %swap3A_394] {strides = array<i32>} : memref<80x128xf32, #tpu.memory_space<vmem>>, vector<1x16xf32>,
      %swap3A_396 = vector.shape_cast %swap3A_395 : vector<1x16xf32> to vector<16xf32>
      %swap3A_397 = vector.shape_cast %broadcast_in_dim3A_36 : vector<16xf32> to vector<1x16xf32>
      tpu.vector_store %arg10[%swap3A_393, %swap3A_394], %swap3A_397 {strides = array<i32>} : memref<80x128xf32, #tpu.memory_space<vmem>>, vector<1x16xf32>,
      %swap3A_398 = arith.index_cast %scan3A_388 : i32 to index
      %swap3A_399 = arith.constant 32 : index
      %swap3A_400 = tpu.vector_load %arg10[%swap3A_398, %swap3A_399] {strides = array<i32>} : memref<80x128xf32, #tpu.memory_space<vmem>>, vector<1x16xf32>,
      %swap3A_401 = vector.shape_cast %swap3A_400 : vector<1x16xf32> to vector<16xf32>
      %swap3A_402 = vector.shape_cast %broadcast_in_dim3A_36 : vector<16xf32> to vector<1x16xf32>
      tpu.vector_store %arg10[%swap3A_398, %swap3A_399], %swap3A_402 {strides = array<i32>} : memref<80x128xf32, #tpu.memory_space<vmem>>, vector<1x16xf32>,
      %swap3A_403 = arith.index_cast %scan3A_388 : i32 to index
      %swap3A_404 = arith.constant 48 : index
      %swap3A_405 = tpu.vector_load %arg10[%swap3A_403, %swap3A_404] {strides = array<i32>} : memref<80x128xf32, #tpu.memory_space<vmem>>, vector<1x16xf32>,
      %swap3A_406 = vector.shape_cast %swap3A_405 : vector<1x16xf32> to vector<16xf32>
      %swap3A_407 = vector.shape_cast %broadcast_in_dim3A_36 : vector<16xf32> to vector<1x16xf32>
      tpu.vector_store %arg10[%swap3A_403, %swap3A_404], %swap3A_407 {strides = array<i32>} : memref<80x128xf32, #tpu.memory_space<vmem>>, vector<1x16xf32>,
      %swap3A_408 = arith.index_cast %scan3A_388 : i32 to index
      %swap3A_409 = arith.constant 64 : index
      %swap3A_410 = tpu.vector_load %arg10[%swap3A_408, %swap3A_409] {strides = array<i32>} : memref<80x128xf32, #tpu.memory_space<vmem>>, vector<1x16xf32>,
      %swap3A_411 = vector.shape_cast %swap3A_410 : vector<1x16xf32> to vector<16xf32>
      %swap3A_412 = vector.shape_cast %broadcast_in_dim3A_36 : vector<16xf32> to vector<1x16xf32>
      tpu.vector_store %arg10[%swap3A_408, %swap3A_409], %swap3A_412 {strides = array<i32>} : memref<80x128xf32, #tpu.memory_space<vmem>>, vector<1x16xf32>,
      %swap3A_413 = arith.index_cast %scan3A_388 : i32 to index
      %swap3A_414 = arith.constant 80 : index
      %swap3A_415 = tpu.vector_load %arg10[%swap3A_413, %swap3A_414] {strides = array<i32>} : memref<80x128xf32, #tpu.memory_space<vmem>>, vector<1x16xf32>,
      %swap3A_416 = vector.shape_cast %swap3A_415 : vector<1x16xf32> to vector<16xf32>
      %swap3A_417 = vector.shape_cast %broadcast_in_dim3A_36 : vector<16xf32> to vector<1x16xf32>
      tpu.vector_store %arg10[%swap3A_413, %swap3A_414], %swap3A_417 {strides = array<i32>} : memref<80x128xf32, #tpu.memory_space<vmem>>, vector<1x16xf32>,
      %swap3A_418 = arith.index_cast %scan3A_388 : i32 to index
      %swap3A_419 = arith.constant 96 : index
      %swap3A_420 = tpu.vector_load %arg10[%swap3A_418, %swap3A_419] {strides = array<i32>} : memref<80x128xf32, #tpu.memory_space<vmem>>, vector<1x16xf32>,
      %swap3A_421 = vector.shape_cast %swap3A_420 : vector<1x16xf32> to vector<16xf32>
      %swap3A_422 = vector.shape_cast %broadcast_in_dim3A_36 : vector<16xf32> to vector<1x16xf32>
      tpu.vector_store %arg10[%swap3A_418, %swap3A_419], %swap3A_422 {strides = array<i32>} : memref<80x128xf32, #tpu.memory_space<vmem>>, vector<1x16xf32>,
      %swap3A_423 = arith.index_cast %scan3A_388 : i32 to index
      %swap3A_424 = arith.constant 112 : index
      %swap3A_425 = tpu.vector_load %arg10[%swap3A_423, %swap3A_424] {strides = array<i32>} : memref<80x128xf32, #tpu.memory_space<vmem>>, vector<1x16xf32>,
      %swap3A_426 = vector.shape_cast %swap3A_425 : vector<1x16xf32> to vector<16xf32>
      %swap3A_427 = vector.shape_cast %broadcast_in_dim3A_36 : vector<16xf32> to vector<1x16xf32>
      tpu.vector_store %arg10[%swap3A_423, %swap3A_424], %swap3A_427 {strides = array<i32>} : memref<80x128xf32, #tpu.memory_space<vmem>>, vector<1x16xf32>,
    }
    %scan3A_41 = arith.constant 80 : i32
    %mul3A_42 = arith.constant 640 : i32
    %mul3A_43 = arith.muli %arg1, %mul3A_42 : i32
    %add3A_44 = arith.constant 0 : i32
    %add3A_45 = arith.addi %mul3A_43, %add3A_44 : i32
    %multiple_of3A_46 = tpu.assume_multiple %add3A_45, 8 : i32
    "tpu.region"() ({
      %run_scoped3A = tpu.sem_alloc : memref<!tpu.dma_semaphore, #tpu.memory_space<semaphore_mem>>
      %dma_start3A_388 = arith.constant 0 : i32
      %dma_start3A_389 = tpu.memref_slice %arg11[%multiple_of3A_46, %dma_start3A_388] : memref<10240x128xf32, #tpu.memory_space<vmem_shared>> -> memref<80x128xf32, #tpu.memory_space<vmem_shared>>
      %dma_start3A_390 = arith.constant 0 : i32
      %dma_start3A_391 = tpu.memref_slice %arg11[%multiple_of3A_46, %dma_start3A_390] : memref<10240x128xf32, #tpu.memory_space<vmem_shared>> -> memref<80x128xf32, #tpu.memory_space<vmem_shared>>
      tpu.enqueue_dma source(%arg10 : memref<80x128xf32, #tpu.memory_space<vmem>>) target(%dma_start3A_391 : memref<80x128xf32, #tpu.memory_space<vmem_shared>>) target_semaphore(%run_scoped3A : memref<!tpu.dma_semaphore, #tpu.memory_space<semaphore_mem>>)
      %dma_wait3A_392 = arith.constant 0 : i32
      %dma_wait3A_393 = tpu.memref_slice %arg11[%multiple_of3A_46, %dma_wait3A_392] : memref<10240x128xf32, #tpu.memory_space<vmem_shared>> -> memref<80x128xf32, #tpu.memory_space<vmem_shared>>
      %dma_wait3A_394 = arith.constant 0 : i32
      %dma_wait3A_395 = tpu.memref_slice %arg11[%multiple_of3A_46, %dma_wait3A_394] : memref<10240x128xf32, #tpu.memory_space<vmem_shared>> -> memref<80x128xf32, #tpu.memory_space<vmem_shared>>
      tpu.wait_dma2 semaphore(%run_scoped3A : memref<!tpu.dma_semaphore, #tpu.memory_space<semaphore_mem>>) src(%arg10 : memref<80x128xf32, #tpu.memory_space<vmem>>) dst(%dma_wait3A_395 : memref<80x128xf32, #tpu.memory_space<vmem_shared>>)
      tpu.yield
    }) : () -> ()
    %mul3A_47 = arith.constant 640 : i32
    %mul3A_48 = arith.muli %arg1, %mul3A_47 : i32
    %add3A_49 = arith.constant 80 : i32
    %add3A_50 = arith.addi %mul3A_48, %add3A_49 : i32
    %multiple_of3A_51 = tpu.assume_multiple %add3A_50, 8 : i32
    "tpu.region"() ({
      %run_scoped3A = tpu.sem_alloc : memref<!tpu.dma_semaphore, #tpu.memory_space<semaphore_mem>>
      %dma_start3A_388 = arith.constant 0 : i32
      %dma_start3A_389 = tpu.memref_slice %arg11[%multiple_of3A_51, %dma_start3A_388] : memref<10240x128xf32, #tpu.memory_space<vmem_shared>> -> memref<80x128xf32, #tpu.memory_space<vmem_shared>>
      %dma_start3A_390 = arith.constant 0 : i32
      %dma_start3A_391 = tpu.memref_slice %arg11[%multiple_of3A_51, %dma_start3A_390] : memref<10240x128xf32, #tpu.memory_space<vmem_shared>> -> memref<80x128xf32, #tpu.memory_space<vmem_shared>>
      tpu.enqueue_dma source(%arg10 : memref<80x128xf32, #tpu.memory_space<vmem>>) target(%dma_start3A_391 : memref<80x128xf32, #tpu.memory_space<vmem_shared>>) target_semaphore(%run_scoped3A : memref<!tpu.dma_semaphore, #tpu.memory_space<semaphore_mem>>)
      %dma_wait3A_392 = arith.constant 0 : i32
      %dma_wait3A_393 = tpu.memref_slice %arg11[%multiple_of3A_51, %dma_wait3A_392] : memref<10240x128xf32, #tpu.memory_space<vmem_shared>> -> memref<80x128xf32, #tpu.memory_space<vmem_shared>>
      %dma_wait3A_394 = arith.constant 0 : i32
      %dma_wait3A_395 = tpu.memref_slice %arg11[%multiple_of3A_51, %dma_wait3A_394] : memref<10240x128xf32, #tpu.memory_space<vmem_shared>> -> memref<80x128xf32, #tpu.memory_space<vmem_shared>>
      tpu.wait_dma2 semaphore(%run_scoped3A : memref<!tpu.dma_semaphore, #tpu.memory_space<semaphore_mem>>) src(%arg10 : memref<80x128xf32, #tpu.memory_space<vmem>>) dst(%dma_wait3A_395 : memref<80x128xf32, #tpu.memory_space<vmem_shared>>)
      tpu.yield
    }) : () -> ()
    %mul3A_52 = arith.constant 640 : i32
    %mul3A_53 = arith.muli %arg1, %mul3A_52 : i32
    %add3A_54 = arith.constant 160 : i32
    %add3A_55 = arith.addi %mul3A_53, %add3A_54 : i32
    %multiple_of3A_56 = tpu.assume_multiple %add3A_55, 8 : i32
    "tpu.region"() ({
      %run_scoped3A = tpu.sem_alloc : memref<!tpu.dma_semaphore, #tpu.memory_space<semaphore_mem>>
      %dma_start3A_388 = arith.constant 0 : i32
      %dma_start3A_389 = tpu.memref_slice %arg11[%multiple_of3A_56, %dma_start3A_388] : memref<10240x128xf32, #tpu.memory_space<vmem_shared>> -> memref<80x128xf32, #tpu.memory_space<vmem_shared>>
      %dma_start3A_390 = arith.constant 0 : i32
      %dma_start3A_391 = tpu.memref_slice %arg11[%multiple_of3A_56, %dma_start3A_390] : memref<10240x128xf32, #tpu.memory_space<vmem_shared>> -> memref<80x128xf32, #tpu.memory_space<vmem_shared>>
      tpu.enqueue_dma source(%arg10 : memref<80x128xf32, #tpu.memory_space<vmem>>) target(%dma_start3A_391 : memref<80x128xf32, #tpu.memory_space<vmem_shared>>) target_semaphore(%run_scoped3A : memref<!tpu.dma_semaphore, #tpu.memory_space<semaphore_mem>>)
      %dma_wait3A_392 = arith.constant 0 : i32
      %dma_wait3A_393 = tpu.memref_slice %arg11[%multiple_of3A_56, %dma_wait3A_392] : memref<10240x128xf32, #tpu.memory_space<vmem_shared>> -> memref<80x128xf32, #tpu.memory_space<vmem_shared>>
      %dma_wait3A_394 = arith.constant 0 : i32
      %dma_wait3A_395 = tpu.memref_slice %arg11[%multiple_of3A_56, %dma_wait3A_394] : memref<10240x128xf32, #tpu.memory_space<vmem_shared>> -> memref<80x128xf32, #tpu.memory_space<vmem_shared>>
      tpu.wait_dma2 semaphore(%run_scoped3A : memref<!tpu.dma_semaphore, #tpu.memory_space<semaphore_mem>>) src(%arg10 : memref<80x128xf32, #tpu.memory_space<vmem>>) dst(%dma_wait3A_395 : memref<80x128xf32, #tpu.memory_space<vmem_shared>>)
      tpu.yield
    }) : () -> ()
    %mul3A_57 = arith.constant 640 : i32
    %mul3A_58 = arith.muli %arg1, %mul3A_57 : i32
    %add3A_59 = arith.constant 240 : i32
    %add3A_60 = arith.addi %mul3A_58, %add3A_59 : i32
    %multiple_of3A_61 = tpu.assume_multiple %add3A_60, 8 : i32
    "tpu.region"() ({
      %run_scoped3A = tpu.sem_alloc : memref<!tpu.dma_semaphore, #tpu.memory_space<semaphore_mem>>
      %dma_start3A_388 = arith.constant 0 : i32
      %dma_start3A_389 = tpu.memref_slice %arg11[%multiple_of3A_61, %dma_start3A_388] : memref<10240x128xf32, #tpu.memory_space<vmem_shared>> -> memref<80x128xf32, #tpu.memory_space<vmem_shared>>
      %dma_start3A_390 = arith.constant 0 : i32
      %dma_start3A_391 = tpu.memref_slice %arg11[%multiple_of3A_61, %dma_start3A_390] : memref<10240x128xf32, #tpu.memory_space<vmem_shared>> -> memref<80x128xf32, #tpu.memory_space<vmem_shared>>
      tpu.enqueue_dma source(%arg10 : memref<80x128xf32, #tpu.memory_space<vmem>>) target(%dma_start3A_391 : memref<80x128xf32, #tpu.memory_space<vmem_shared>>) target_semaphore(%run_scoped3A : memref<!tpu.dma_semaphore, #tpu.memory_space<semaphore_mem>>)
      %dma_wait3A_392 = arith.constant 0 : i32
      %dma_wait3A_393 = tpu.memref_slice %arg11[%multiple_of3A_61, %dma_wait3A_392] : memref<10240x128xf32, #tpu.memory_space<vmem_shared>> -> memref<80x128xf32, #tpu.memory_space<vmem_shared>>
      %dma_wait3A_394 = arith.constant 0 : i32
      %dma_wait3A_395 = tpu.memref_slice %arg11[%multiple_of3A_61, %dma_wait3A_394] : memref<10240x128xf32, #tpu.memory_space<vmem_shared>> -> memref<80x128xf32, #tpu.memory_space<vmem_shared>>
      tpu.wait_dma2 semaphore(%run_scoped3A : memref<!tpu.dma_semaphore, #tpu.memory_space<semaphore_mem>>) src(%arg10 : memref<80x128xf32, #tpu.memory_space<vmem>>) dst(%dma_wait3A_395 : memref<80x128xf32, #tpu.memory_space<vmem_shared>>)
      tpu.yield
    }) : () -> ()
    %mul3A_62 = arith.constant 640 : i32
    %mul3A_63 = arith.muli %arg1, %mul3A_62 : i32
    %add3A_64 = arith.constant 320 : i32
    %add3A_65 = arith.addi %mul3A_63, %add3A_64 : i32
    %multiple_of3A_66 = tpu.assume_multiple %add3A_65, 8 : i32
    "tpu.region"() ({
      %run_scoped3A = tpu.sem_alloc : memref<!tpu.dma_semaphore, #tpu.memory_space<semaphore_mem>>
      %dma_start3A_388 = arith.constant 0 : i32
      %dma_start3A_389 = tpu.memref_slice %arg11[%multiple_of3A_66, %dma_start3A_388] : memref<10240x128xf32, #tpu.memory_space<vmem_shared>> -> memref<80x128xf32, #tpu.memory_space<vmem_shared>>
      %dma_start3A_390 = arith.constant 0 : i32
      %dma_start3A_391 = tpu.memref_slice %arg11[%multiple_of3A_66, %dma_start3A_390] : memref<10240x128xf32, #tpu.memory_space<vmem_shared>> -> memref<80x128xf32, #tpu.memory_space<vmem_shared>>
      tpu.enqueue_dma source(%arg10 : memref<80x128xf32, #tpu.memory_space<vmem>>) target(%dma_start3A_391 : memref<80x128xf32, #tpu.memory_space<vmem_shared>>) target_semaphore(%run_scoped3A : memref<!tpu.dma_semaphore, #tpu.memory_space<semaphore_mem>>)
      %dma_wait3A_392 = arith.constant 0 : i32
      %dma_wait3A_393 = tpu.memref_slice %arg11[%multiple_of3A_66, %dma_wait3A_392] : memref<10240x128xf32, #tpu.memory_space<vmem_shared>> -> memref<80x128xf32, #tpu.memory_space<vmem_shared>>
      %dma_wait3A_394 = arith.constant 0 : i32
      %dma_wait3A_395 = tpu.memref_slice %arg11[%multiple_of3A_66, %dma_wait3A_394] : memref<10240x128xf32, #tpu.memory_space<vmem_shared>> -> memref<80x128xf32, #tpu.memory_space<vmem_shared>>
      tpu.wait_dma2 semaphore(%run_scoped3A : memref<!tpu.dma_semaphore, #tpu.memory_space<semaphore_mem>>) src(%arg10 : memref<80x128xf32, #tpu.memory_space<vmem>>) dst(%dma_wait3A_395 : memref<80x128xf32, #tpu.memory_space<vmem_shared>>)
      tpu.yield
    }) : () -> ()
    %mul3A_67 = arith.constant 640 : i32
    %mul3A_68 = arith.muli %arg1, %mul3A_67 : i32
    %add3A_69 = arith.constant 400 : i32
    %add3A_70 = arith.addi %mul3A_68, %add3A_69 : i32
    %multiple_of3A_71 = tpu.assume_multiple %add3A_70, 8 : i32
    "tpu.region"() ({
      %run_scoped3A = tpu.sem_alloc : memref<!tpu.dma_semaphore, #tpu.memory_space<semaphore_mem>>
      %dma_start3A_388 = arith.constant 0 : i32
      %dma_start3A_389 = tpu.memref_slice %arg11[%multiple_of3A_71, %dma_start3A_388] : memref<10240x128xf32, #tpu.memory_space<vmem_shared>> -> memref<80x128xf32, #tpu.memory_space<vmem_shared>>
      %dma_start3A_390 = arith.constant 0 : i32
      %dma_start3A_391 = tpu.memref_slice %arg11[%multiple_of3A_71, %dma_start3A_390] : memref<10240x128xf32, #tpu.memory_space<vmem_shared>> -> memref<80x128xf32, #tpu.memory_space<vmem_shared>>
      tpu.enqueue_dma source(%arg10 : memref<80x128xf32, #tpu.memory_space<vmem>>) target(%dma_start3A_391 : memref<80x128xf32, #tpu.memory_space<vmem_shared>>) target_semaphore(%run_scoped3A : memref<!tpu.dma_semaphore, #tpu.memory_space<semaphore_mem>>)
      %dma_wait3A_392 = arith.constant 0 : i32
      %dma_wait3A_393 = tpu.memref_slice %arg11[%multiple_of3A_71, %dma_wait3A_392] : memref<10240x128xf32, #tpu.memory_space<vmem_shared>> -> memref<80x128xf32, #tpu.memory_space<vmem_shared>>
      %dma_wait3A_394 = arith.constant 0 : i32
      %dma_wait3A_395 = tpu.memref_slice %arg11[%multiple_of3A_71, %dma_wait3A_394] : memref<10240x128xf32, #tpu.memory_space<vmem_shared>> -> memref<80x128xf32, #tpu.memory_space<vmem_shared>>
      tpu.wait_dma2 semaphore(%run_scoped3A : memref<!tpu.dma_semaphore, #tpu.memory_space<semaphore_mem>>) src(%arg10 : memref<80x128xf32, #tpu.memory_space<vmem>>) dst(%dma_wait3A_395 : memref<80x128xf32, #tpu.memory_space<vmem_shared>>)
      tpu.yield
    }) : () -> ()
    %mul3A_72 = arith.constant 640 : i32
    %mul3A_73 = arith.muli %arg1, %mul3A_72 : i32
    %add3A_74 = arith.constant 480 : i32
    %add3A_75 = arith.addi %mul3A_73, %add3A_74 : i32
    %multiple_of3A_76 = tpu.assume_multiple %add3A_75, 8 : i32
    "tpu.region"() ({
      %run_scoped3A = tpu.sem_alloc : memref<!tpu.dma_semaphore, #tpu.memory_space<semaphore_mem>>
      %dma_start3A_388 = arith.constant 0 : i32
      %dma_start3A_389 = tpu.memref_slice %arg11[%multiple_of3A_76, %dma_start3A_388] : memref<10240x128xf32, #tpu.memory_space<vmem_shared>> -> memref<80x128xf32, #tpu.memory_space<vmem_shared>>
      %dma_start3A_390 = arith.constant 0 : i32
      %dma_start3A_391 = tpu.memref_slice %arg11[%multiple_of3A_76, %dma_start3A_390] : memref<10240x128xf32, #tpu.memory_space<vmem_shared>> -> memref<80x128xf32, #tpu.memory_space<vmem_shared>>
      tpu.enqueue_dma source(%arg10 : memref<80x128xf32, #tpu.memory_space<vmem>>) target(%dma_start3A_391 : memref<80x128xf32, #tpu.memory_space<vmem_shared>>) target_semaphore(%run_scoped3A : memref<!tpu.dma_semaphore, #tpu.memory_space<semaphore_mem>>)
      %dma_wait3A_392 = arith.constant 0 : i32
      %dma_wait3A_393 = tpu.memref_slice %arg11[%multiple_of3A_76, %dma_wait3A_392] : memref<10240x128xf32, #tpu.memory_space<vmem_shared>> -> memref<80x128xf32, #tpu.memory_space<vmem_shared>>
      %dma_wait3A_394 = arith.constant 0 : i32
      %dma_wait3A_395 = tpu.memref_slice %arg11[%multiple_of3A_76, %dma_wait3A_394] : memref<10240x128xf32, #tpu.memory_space<vmem_shared>> -> memref<80x128xf32, #tpu.memory_space<vmem_shared>>
      tpu.wait_dma2 semaphore(%run_scoped3A : memref<!tpu.dma_semaphore, #tpu.memory_space<semaphore_mem>>) src(%arg10 : memref<80x128xf32, #tpu.memory_space<vmem>>) dst(%dma_wait3A_395 : memref<80x128xf32, #tpu.memory_space<vmem_shared>>)
      tpu.yield
    }) : () -> ()
    %mul3A_77 = arith.constant 640 : i32
    %mul3A_78 = arith.muli %arg1, %mul3A_77 : i32
    %add3A_79 = arith.constant 560 : i32
    %add3A_80 = arith.addi %mul3A_78, %add3A_79 : i32
    %multiple_of3A_81 = tpu.assume_multiple %add3A_80, 8 : i32
    "tpu.region"() ({
      %run_scoped3A = tpu.sem_alloc : memref<!tpu.dma_semaphore, #tpu.memory_space<semaphore_mem>>
      %dma_start3A_388 = arith.constant 0 : i32
      %dma_start3A_389 = tpu.memref_slice %arg11[%multiple_of3A_81, %dma_start3A_388] : memref<10240x128xf32, #tpu.memory_space<vmem_shared>> -> memref<80x128xf32, #tpu.memory_space<vmem_shared>>
      %dma_start3A_390 = arith.constant 0 : i32
      %dma_start3A_391 = tpu.memref_slice %arg11[%multiple_of3A_81, %dma_start3A_390] : memref<10240x128xf32, #tpu.memory_space<vmem_shared>> -> memref<80x128xf32, #tpu.memory_space<vmem_shared>>
      tpu.enqueue_dma source(%arg10 : memref<80x128xf32, #tpu.memory_space<vmem>>) target(%dma_start3A_391 : memref<80x128xf32, #tpu.memory_space<vmem_shared>>) target_semaphore(%run_scoped3A : memref<!tpu.dma_semaphore, #tpu.memory_space<semaphore_mem>>)
      %dma_wait3A_392 = arith.constant 0 : i32
      %dma_wait3A_393 = tpu.memref_slice %arg11[%multiple_of3A_81, %dma_wait3A_392] : memref<10240x128xf32, #tpu.memory_space<vmem_shared>> -> memref<80x128xf32, #tpu.memory_space<vmem_shared>>
      %dma_wait3A_394 = arith.constant 0 : i32
      %dma_wait3A_395 = tpu.memref_slice %arg11[%multiple_of3A_81, %dma_wait3A_394] : memref<10240x128xf32, #tpu.memory_space<vmem_shared>> -> memref<80x128xf32, #tpu.memory_space<vmem_shared>>
      tpu.wait_dma2 semaphore(%run_scoped3A : memref<!tpu.dma_semaphore, #tpu.memory_space<semaphore_mem>>) src(%arg10 : memref<80x128xf32, #tpu.memory_space<vmem>>) dst(%dma_wait3A_395 : memref<80x128xf32, #tpu.memory_space<vmem_shared>>)
      tpu.yield
    }) : () -> ()
    %dma_wait3A_82 = arith.constant 0 : i32
    %dma_wait3A_83 = tpu.memref_slice %arg7[%dma_wait3A_82] : memref<5040xi32, #tpu.memory_space<vmem>> -> memref<5040xi32, #tpu.memory_space<vmem>>
    %dma_wait3A_84 = tpu.memref_slice %arg2[%multiple_of3A_7] : memref<640000xi32, #tpu.memory_space<hbm>> -> memref<5040xi32, #tpu.memory_space<hbm>>
    %dma_wait3A_85 = arith.constant 0 : i32
    %dma_wait3A_86 = tpu.memref_slice %arg7[%dma_wait3A_85] : memref<5040xi32, #tpu.memory_space<vmem>> -> memref<5040xi32, #tpu.memory_space<vmem>>
    %dma_wait3A_87 = tpu.memref_slice %arg2[%multiple_of3A_7] : memref<640000xi32, #tpu.memory_space<hbm>> -> memref<5040xi32, #tpu.memory_space<hbm>>
    tpu.wait_dma2 semaphore(%arg17 : memref<!tpu.dma_semaphore, #tpu.memory_space<semaphore_mem>>) src(%dma_wait3A_87 : memref<5040xi32, #tpu.memory_space<hbm>>) dst(%dma_wait3A_86 : memref<5040xi32, #tpu.memory_space<vmem>>)
    %barrier3A = arith.constant 0 : index
    tpu.barrier barrier_id(%barrier3A)
    %multiple_of3A_88 = arith.constant 0 : i32
    %multiple_of3A_89 = tpu.assume_multiple %multiple_of3A_88, 8 : i32
    %dma_wait3A_90 = tpu.memref_slice %arg6[%multiple_of3A_89] : memref<5040xi32, #tpu.memory_space<vmem>> -> memref<80xi32, #tpu.memory_space<vmem>>
    %dma_wait3A_91 = arith.constant 0 : i32
    %dma_wait3A_92 = arith.constant 0 : i32
    %dma_wait3A_93 = tpu.memref_slice %arg3[%dma_wait3A_91, %dma_wait3A_92] : memref<10000x128xf32, #tpu.memory_space<hbm>> -> memref<10000x128xf32, #tpu.memory_space<hbm>>
    tpu.wait_indirect_dma semaphore(%arg12 : memref<!tpu.dma_semaphore, #tpu.memory_space<semaphore_mem>>) src(%dma_wait3A_93 : memref<10000x128xf32, #tpu.memory_space<hbm>>) dst(%arg8 : memref<80x128xf32, #tpu.memory_space<vmem>>)
    %multiple_of3A_94 = arith.constant 0 : i32
    %multiple_of3A_95 = tpu.assume_multiple %multiple_of3A_94, 8 : i32
    %dma_start3A_96 = tpu.memref_slice %arg7[%multiple_of3A_95] : memref<5040xi32, #tpu.memory_space<vmem>> -> memref<80xi32, #tpu.memory_space<vmem>>
    %dma_start3A_97 = arith.constant 0 : i32
    %dma_start3A_98 = arith.constant 0 : i32
    %dma_start3A_99 = tpu.memref_slice %arg11[%dma_start3A_97, %dma_start3A_98] : memref<10240x128xf32, #tpu.memory_space<vmem_shared>> -> memref<10240x128xf32, #tpu.memory_space<vmem_shared>>
    tpu.enqueue_indirect_dma source(%arg8 : memref<80x128xf32, #tpu.memory_space<vmem>>) target(%dma_start3A_99 : memref<10240x128xf32, #tpu.memory_space<vmem_shared>>) offsets(%dma_start3A_96 : memref<80xi32, #tpu.memory_space<vmem>>) semaphore(%arg15 : memref<!tpu.dma_semaphore, #tpu.memory_space<semaphore_mem>>) {add = true}
    %multiple_of3A_100 = arith.constant 160 : i32
    %multiple_of3A_101 = tpu.assume_multiple %multiple_of3A_100, 8 : i32
    %dma_start3A_102 = tpu.memref_slice %arg6[%multiple_of3A_101] : memref<5040xi32, #tpu.memory_space<vmem>> -> memref<80xi32, #tpu.memory_space<vmem>>
    %dma_start3A_103 = arith.constant 0 : i32
    %dma_start3A_104 = arith.constant 0 : i32
    %dma_start3A_105 = tpu.memref_slice %arg3[%dma_start3A_103, %dma_start3A_104] : memref<10000x128xf32, #tpu.memory_space<hbm>> -> memref<10000x128xf32, #tpu.memory_space<hbm>>
    tpu.enqueue_indirect_dma source(%dma_start3A_105 : memref<10000x128xf32, #tpu.memory_space<hbm>>) target(%arg10 : memref<80x128xf32, #tpu.memory_space<vmem>>) offsets(%dma_start3A_102 : memref<80xi32, #tpu.memory_space<vmem>>) semaphore(%arg14 : memref<!tpu.dma_semaphore, #tpu.memory_space<semaphore_mem>>)
    %multiple_of3A_106 = arith.constant 80 : i32
    %multiple_of3A_107 = tpu.assume_multiple %multiple_of3A_106, 8 : i32
    %dma_wait3A_108 = tpu.memref_slice %arg6[%multiple_of3A_107] : memref<5040xi32, #tpu.memory_space<vmem>> -> memref<80xi32, #tpu.memory_space<vmem>>
    %dma_wait3A_109 = arith.constant 0 : i32
    %dma_wait3A_110 = arith.constant 0 : i32
    %dma_wait3A_111 = tpu.memref_slice %arg3[%dma_wait3A_109, %dma_wait3A_110] : memref<10000x128xf32, #tpu.memory_space<hbm>> -> memref<10000x128xf32, #tpu.memory_space<hbm>>
    tpu.wait_indirect_dma semaphore(%arg13 : memref<!tpu.dma_semaphore, #tpu.memory_space<semaphore_mem>>) src(%dma_wait3A_111 : memref<10000x128xf32, #tpu.memory_space<hbm>>) dst(%arg9 : memref<80x128xf32, #tpu.memory_space<vmem>>)
    %multiple_of3A_112 = arith.constant 80 : i32
    %multiple_of3A_113 = tpu.assume_multiple %multiple_of3A_112, 8 : i32
    %dma_start3A_114 = tpu.memref_slice %arg7[%multiple_of3A_113] : memref<5040xi32, #tpu.memory_space<vmem>> -> memref<80xi32, #tpu.memory_space<vmem>>
    %dma_start3A_115 = arith.constant 0 : i32
    %dma_start3A_116 = arith.constant 0 : i32
    %dma_start3A_117 = tpu.memref_slice %arg11[%dma_start3A_115, %dma_start3A_116] : memref<10240x128xf32, #tpu.memory_space<vmem_shared>> -> memref<10240x128xf32, #tpu.memory_space<vmem_shared>>
    tpu.enqueue_indirect_dma source(%arg9 : memref<80x128xf32, #tpu.memory_space<vmem>>) target(%dma_start3A_117 : memref<10240x128xf32, #tpu.memory_space<vmem_shared>>) offsets(%dma_start3A_114 : memref<80xi32, #tpu.memory_space<vmem>>) semaphore(%arg16 : memref<!tpu.dma_semaphore, #tpu.memory_space<semaphore_mem>>) {add = true}
    %multiple_of3A_118 = arith.constant 0 : i32
    %multiple_of3A_119 = tpu.assume_multiple %multiple_of3A_118, 8 : i32
    %dma_wait3A_120 = tpu.memref_slice %arg7[%multiple_of3A_119] : memref<5040xi32, #tpu.memory_space<vmem>> -> memref<80xi32, #tpu.memory_space<vmem>>
    %dma_wait3A_121 = arith.constant 0 : i32
    %dma_wait3A_122 = arith.constant 0 : i32
    %dma_wait3A_123 = tpu.memref_slice %arg11[%dma_wait3A_121, %dma_wait3A_122] : memref<10240x128xf32, #tpu.memory_space<vmem_shared>> -> memref<10240x128xf32, #tpu.memory_space<vmem_shared>>
    tpu.wait_indirect_dma semaphore(%arg15 : memref<!tpu.dma_semaphore, #tpu.memory_space<semaphore_mem>>) src(%arg8 : memref<80x128xf32, #tpu.memory_space<vmem>>) dst(%dma_wait3A_123 : memref<10240x128xf32, #tpu.memory_space<vmem_shared>>)
    %multiple_of3A_124 = arith.constant 240 : i32
    %multiple_of3A_125 = tpu.assume_multiple %multiple_of3A_124, 8 : i32
    %dma_start3A_126 = tpu.memref_slice %arg6[%multiple_of3A_125] : memref<5040xi32, #tpu.memory_space<vmem>> -> memref<80xi32, #tpu.memory_space<vmem>>
    %dma_start3A_127 = arith.constant 0 : i32
    %dma_start3A_128 = arith.constant 0 : i32
    %dma_start3A_129 = tpu.memref_slice %arg3[%dma_start3A_127, %dma_start3A_128] : memref<10000x128xf32, #tpu.memory_space<hbm>> -> memref<10000x128xf32, #tpu.memory_space<hbm>>
    tpu.enqueue_indirect_dma source(%dma_start3A_129 : memref<10000x128xf32, #tpu.memory_space<hbm>>) target(%arg8 : memref<80x128xf32, #tpu.memory_space<vmem>>) offsets(%dma_start3A_126 : memref<80xi32, #tpu.memory_space<vmem>>) semaphore(%arg12 : memref<!tpu.dma_semaphore, #tpu.memory_space<semaphore_mem>>)
    %multiple_of3A_130 = arith.constant 160 : i32
    %multiple_of3A_131 = tpu.assume_multiple %multiple_of3A_130, 8 : i32
    %dma_wait3A_132 = tpu.memref_slice %arg6[%multiple_of3A_131] : memref<5040xi32, #tpu.memory_space<vmem>> -> memref<80xi32, #tpu.memory_space<vmem>>
    %dma_wait3A_133 = arith.constant 0 : i32
    %dma_wait3A_134 = arith.constant 0 : i32
    %dma_wait3A_135 = tpu.memref_slice %arg3[%dma_wait3A_133, %dma_wait3A_134] : memref<10000x128xf32, #tpu.memory_space<hbm>> -> memref<10000x128xf32, #tpu.memory_space<hbm>>
    tpu.wait_indirect_dma semaphore(%arg14 : memref<!tpu.dma_semaphore, #tpu.memory_space<semaphore_mem>>) src(%dma_wait3A_135 : memref<10000x128xf32, #tpu.memory_space<hbm>>) dst(%arg10 : memref<80x128xf32, #tpu.memory_space<vmem>>)
    %multiple_of3A_136 = arith.constant 160 : i32
    %multiple_of3A_137 = tpu.assume_multiple %multiple_of3A_136, 8 : i32
    %dma_start3A_138 = tpu.memref_slice %arg7[%multiple_of3A_137] : memref<5040xi32, #tpu.memory_space<vmem>> -> memref<80xi32, #tpu.memory_space<vmem>>
    %dma_start3A_139 = arith.constant 0 : i32
    %dma_start3A_140 = arith.constant 0 : i32
    %dma_start3A_141 = tpu.memref_slice %arg11[%dma_start3A_139, %dma_start3A_140] : memref<10240x128xf32, #tpu.memory_space<vmem_shared>> -> memref<10240x128xf32, #tpu.memory_space<vmem_shared>>
    tpu.enqueue_indirect_dma source(%arg10 : memref<80x128xf32, #tpu.memory_space<vmem>>) target(%dma_start3A_141 : memref<10240x128xf32, #tpu.memory_space<vmem_shared>>) offsets(%dma_start3A_138 : memref<80xi32, #tpu.memory_space<vmem>>) semaphore(%arg17 : memref<!tpu.dma_semaphore, #tpu.memory_space<semaphore_mem>>) {add = true}
    %multiple_of3A_142 = arith.constant 80 : i32
    %multiple_of3A_143 = tpu.assume_multiple %multiple_of3A_142, 8 : i32
    %dma_wait3A_144 = tpu.memref_slice %arg7[%multiple_of3A_143] : memref<5040xi32, #tpu.memory_space<vmem>> -> memref<80xi32, #tpu.memory_space<vmem>>
    %dma_wait3A_145 = arith.constant 0 : i32
    %dma_wait3A_146 = arith.constant 0 : i32
    %dma_wait3A_147 = tpu.memref_slice %arg11[%dma_wait3A_145, %dma_wait3A_146] : memref<10240x128xf32, #tpu.memory_space<vmem_shared>> -> memref<10240x128xf32, #tpu.memory_space<vmem_shared>>
    tpu.wait_indirect_dma semaphore(%arg16 : memref<!tpu.dma_semaphore, #tpu.memory_space<semaphore_mem>>) src(%arg9 : memref<80x128xf32, #tpu.memory_space<vmem>>) dst(%dma_wait3A_147 : memref<10240x128xf32, #tpu.memory_space<vmem_shared>>)
    %multiple_of3A_148 = arith.constant 320 : i32
    %multiple_of3A_149 = tpu.assume_multiple %multiple_of3A_148, 8 : i32
    %dma_start3A_150 = tpu.memref_slice %arg6[%multiple_of3A_149] : memref<5040xi32, #tpu.memory_space<vmem>> -> memref<80xi32, #tpu.memory_space<vmem>>
    %dma_start3A_151 = arith.constant 0 : i32
    %dma_start3A_152 = arith.constant 0 : i32
    %dma_start3A_153 = tpu.memref_slice %arg3[%dma_start3A_151, %dma_start3A_152] : memref<10000x128xf32, #tpu.memory_space<hbm>> -> memref<10000x128xf32, #tpu.memory_space<hbm>>
    tpu.enqueue_indirect_dma source(%dma_start3A_153 : memref<10000x128xf32, #tpu.memory_space<hbm>>) target(%arg9 : memref<80x128xf32, #tpu.memory_space<vmem>>) offsets(%dma_start3A_150 : memref<80xi32, #tpu.memory_space<vmem>>) semaphore(%arg13 : memref<!tpu.dma_semaphore, #tpu.memory_space<semaphore_mem>>)
    %scan3A_154 = arith.constant 0 : i32
    %scan3A_155 = arith.constant 0 : i32
    %scan3A_156 = arith.constant 19 : i32
    %scan3A_157 = arith.addi %scan3A_155, %scan3A_156 : i32
    %scan3A_158 = arith.constant 1 : i32
    scf.for %scan3A_388 = %scan3A_155 to %scan3A_157 step %scan3A_158  : i32 {
      %mul3A_389 = arith.constant 3 : i32
      %mul3A_390 = arith.muli %mul3A_389, %scan3A_388 : i32
      %add3A_391 = arith.constant 3 : i32
      %add3A_392 = arith.addi %mul3A_390, %add3A_391 : i32
      %mul3A_393 = arith.constant 80 : i32
      %mul3A_394 = arith.muli %add3A_392, %mul3A_393 : i32
      %multiple_of3A_395 = tpu.assume_multiple %mul3A_394, 8 : i32
      %dma_wait3A_396 = tpu.memref_slice %arg6[%multiple_of3A_395] : memref<5040xi32, #tpu.memory_space<vmem>> -> memref<80xi32, #tpu.memory_space<vmem>>
      %dma_wait3A_397 = arith.constant 0 : i32
      %dma_wait3A_398 = arith.constant 0 : i32
      %dma_wait3A_399 = tpu.memref_slice %arg3[%dma_wait3A_397, %dma_wait3A_398] : memref<10000x128xf32, #tpu.memory_space<hbm>> -> memref<10000x128xf32, #tpu.memory_space<hbm>>
      tpu.wait_indirect_dma semaphore(%arg12 : memref<!tpu.dma_semaphore, #tpu.memory_space<semaphore_mem>>) src(%dma_wait3A_399 : memref<10000x128xf32, #tpu.memory_space<hbm>>) dst(%arg8 : memref<80x128xf32, #tpu.memory_space<vmem>>)
      %mul3A_400 = arith.constant 80 : i32
      %mul3A_401 = arith.muli %add3A_392, %mul3A_400 : i32
      %multiple_of3A_402 = tpu.assume_multiple %mul3A_401, 8 : i32
      %dma_start3A_403 = tpu.memref_slice %arg7[%multiple_of3A_402] : memref<5040xi32, #tpu.memory_space<vmem>> -> memref<80xi32, #tpu.memory_space<vmem>>
      %dma_start3A_404 = arith.constant 0 : i32
      %dma_start3A_405 = arith.constant 0 : i32
      %dma_start3A_406 = tpu.memref_slice %arg11[%dma_start3A_404, %dma_start3A_405] : memref<10240x128xf32, #tpu.memory_space<vmem_shared>> -> memref<10240x128xf32, #tpu.memory_space<vmem_shared>>
      tpu.enqueue_indirect_dma source(%arg8 : memref<80x128xf32, #tpu.memory_space<vmem>>) target(%dma_start3A_406 : memref<10240x128xf32, #tpu.memory_space<vmem_shared>>) offsets(%dma_start3A_403 : memref<80xi32, #tpu.memory_space<vmem>>) semaphore(%arg15 : memref<!tpu.dma_semaphore, #tpu.memory_space<semaphore_mem>>) {add = true}
      %sub3A = arith.constant 1 : i32
      %sub3A_407 = arith.subi %add3A_392, %sub3A : i32
      %mul3A_408 = arith.constant 80 : i32
      %mul3A_409 = arith.muli %sub3A_407, %mul3A_408 : i32
      %multiple_of3A_410 = tpu.assume_multiple %mul3A_409, 8 : i32
      %dma_wait3A_411 = tpu.memref_slice %arg7[%multiple_of3A_410] : memref<5040xi32, #tpu.memory_space<vmem>> -> memref<80xi32, #tpu.memory_space<vmem>>
      %dma_wait3A_412 = arith.constant 0 : i32
      %dma_wait3A_413 = arith.constant 0 : i32
      %dma_wait3A_414 = tpu.memref_slice %arg11[%dma_wait3A_412, %dma_wait3A_413] : memref<10240x128xf32, #tpu.memory_space<vmem_shared>> -> memref<10240x128xf32, #tpu.memory_space<vmem_shared>>
      tpu.wait_indirect_dma semaphore(%arg17 : memref<!tpu.dma_semaphore, #tpu.memory_space<semaphore_mem>>) src(%arg10 : memref<80x128xf32, #tpu.memory_space<vmem>>) dst(%dma_wait3A_414 : memref<10240x128xf32, #tpu.memory_space<vmem_shared>>)
      %add3A_415 = arith.constant 2 : i32
      %add3A_416 = arith.addi %add3A_392, %add3A_415 : i32
      %mul3A_417 = arith.constant 80 : i32
      %mul3A_418 = arith.muli %add3A_416, %mul3A_417 : i32
      %multiple_of3A_419 = tpu.assume_multiple %mul3A_418, 8 : i32
      %dma_start3A_420 = tpu.memref_slice %arg6[%multiple_of3A_419] : memref<5040xi32, #tpu.memory_space<vmem>> -> memref<80xi32, #tpu.memory_space<vmem>>
      %dma_start3A_421 = arith.constant 0 : i32
      %dma_start3A_422 = arith.constant 0 : i32
      %dma_start3A_423 = tpu.memref_slice %arg3[%dma_start3A_421, %dma_start3A_422] : memref<10000x128xf32, #tpu.memory_space<hbm>> -> memref<10000x128xf32, #tpu.memory_space<hbm>>
      tpu.enqueue_indirect_dma source(%dma_start3A_423 : memref<10000x128xf32, #tpu.memory_space<hbm>>) target(%arg10 : memref<80x128xf32, #tpu.memory_space<vmem>>) offsets(%dma_start3A_420 : memref<80xi32, #tpu.memory_space<vmem>>) semaphore(%arg14 : memref<!tpu.dma_semaphore, #tpu.memory_space<semaphore_mem>>)
      %add3A_424 = arith.constant 1 : i32
      %add3A_425 = arith.addi %add3A_392, %add3A_424 : i32
      %mul3A_426 = arith.constant 80 : i32
      %mul3A_427 = arith.muli %add3A_425, %mul3A_426 : i32
      %multiple_of3A_428 = tpu.assume_multiple %mul3A_427, 8 : i32
      %dma_wait3A_429 = tpu.memref_slice %arg6[%multiple_of3A_428] : memref<5040xi32, #tpu.memory_space<vmem>> -> memref<80xi32, #tpu.memory_space<vmem>>
      %dma_wait3A_430 = arith.constant 0 : i32
      %dma_wait3A_431 = arith.constant 0 : i32
      %dma_wait3A_432 = tpu.memref_slice %arg3[%dma_wait3A_430, %dma_wait3A_431] : memref<10000x128xf32, #tpu.memory_space<hbm>> -> memref<10000x128xf32, #tpu.memory_space<hbm>>
      tpu.wait_indirect_dma semaphore(%arg13 : memref<!tpu.dma_semaphore, #tpu.memory_space<semaphore_mem>>) src(%dma_wait3A_432 : memref<10000x128xf32, #tpu.memory_space<hbm>>) dst(%arg9 : memref<80x128xf32, #tpu.memory_space<vmem>>)
      %add3A_433 = arith.constant 1 : i32
      %add3A_434 = arith.addi %add3A_392, %add3A_433 : i32
      %mul3A_435 = arith.constant 80 : i32
      %mul3A_436 = arith.muli %add3A_434, %mul3A_435 : i32
      %multiple_of3A_437 = tpu.assume_multiple %mul3A_436, 8 : i32
      %dma_start3A_438 = tpu.memref_slice %arg7[%multiple_of3A_437] : memref<5040xi32, #tpu.memory_space<vmem>> -> memref<80xi32, #tpu.memory_space<vmem>>
      %dma_start3A_439 = arith.constant 0 : i32
      %dma_start3A_440 = arith.constant 0 : i32
      %dma_start3A_441 = tpu.memref_slice %arg11[%dma_start3A_439, %dma_start3A_440] : memref<10240x128xf32, #tpu.memory_space<vmem_shared>> -> memref<10240x128xf32, #tpu.memory_space<vmem_shared>>
      tpu.enqueue_indirect_dma source(%arg9 : memref<80x128xf32, #tpu.memory_space<vmem>>) target(%dma_start3A_441 : memref<10240x128xf32, #tpu.memory_space<vmem_shared>>) offsets(%dma_start3A_438 : memref<80xi32, #tpu.memory_space<vmem>>) semaphore(%arg16 : memref<!tpu.dma_semaphore, #tpu.memory_space<semaphore_mem>>) {add = true}
      %mul3A_442 = arith.constant 80 : i32
      %mul3A_443 = arith.muli %add3A_392, %mul3A_442 : i32
      %multiple_of3A_444 = tpu.assume_multiple %mul3A_443, 8 : i32
      %dma_wait3A_445 = tpu.memref_slice %arg7[%multiple_of3A_444] : memref<5040xi32, #tpu.memory_space<vmem>> -> memref<80xi32, #tpu.memory_space<vmem>>
      %dma_wait3A_446 = arith.constant 0 : i32
      %dma_wait3A_447 = arith.constant 0 : i32
      %dma_wait3A_448 = tpu.memref_slice %arg11[%dma_wait3A_446, %dma_wait3A_447] : memref<10240x128xf32, #tpu.memory_space<vmem_shared>> -> memref<10240x128xf32, #tpu.memory_space<vmem_shared>>
      tpu.wait_indirect_dma semaphore(%arg15 : memref<!tpu.dma_semaphore, #tpu.memory_space<semaphore_mem>>) src(%arg8 : memref<80x128xf32, #tpu.memory_space<vmem>>) dst(%dma_wait3A_448 : memref<10240x128xf32, #tpu.memory_space<vmem_shared>>)
      %add3A_449 = arith.constant 3 : i32
      %add3A_450 = arith.addi %add3A_392, %add3A_449 : i32
      %mul3A_451 = arith.constant 80 : i32
      %mul3A_452 = arith.muli %add3A_450, %mul3A_451 : i32
      %multiple_of3A_453 = tpu.assume_multiple %mul3A_452, 8 : i32
      %dma_start3A_454 = tpu.memref_slice %arg6[%multiple_of3A_453] : memref<5040xi32, #tpu.memory_space<vmem>> -> memref<80xi32, #tpu.memory_space<vmem>>
      %dma_start3A_455 = arith.constant 0 : i32
      %dma_start3A_456 = arith.constant 0 : i32
      %dma_start3A_457 = tpu.memref_slice %arg3[%dma_start3A_455, %dma_start3A_456] : memref<10000x128xf32, #tpu.memory_space<hbm>> -> memref<10000x128xf32, #tpu.memory_space<hbm>>
      tpu.enqueue_indirect_dma source(%dma_start3A_457 : memref<10000x128xf32, #tpu.memory_space<hbm>>) target(%arg8 : memref<80x128xf32, #tpu.memory_space<vmem>>) offsets(%dma_start3A_454 : memref<80xi32, #tpu.memory_space<vmem>>) semaphore(%arg12 : memref<!tpu.dma_semaphore, #tpu.memory_space<semaphore_mem>>)
      %add3A_458 = arith.constant 2 : i32
      %add3A_459 = arith.addi %add3A_392, %add3A_458 : i32
      %mul3A_460 = arith.constant 80 : i32
      %mul3A_461 = arith.muli %add3A_459, %mul3A_460 : i32
      %multiple_of3A_462 = tpu.assume_multiple %mul3A_461, 8 : i32
      %dma_wait3A_463 = tpu.memref_slice %arg6[%multiple_of3A_462] : memref<5040xi32, #tpu.memory_space<vmem>> -> memref<80xi32, #tpu.memory_space<vmem>>
      %dma_wait3A_464 = arith.constant 0 : i32
      %dma_wait3A_465 = arith.constant 0 : i32
      %dma_wait3A_466 = tpu.memref_slice %arg3[%dma_wait3A_464, %dma_wait3A_465] : memref<10000x128xf32, #tpu.memory_space<hbm>> -> memref<10000x128xf32, #tpu.memory_space<hbm>>
      tpu.wait_indirect_dma semaphore(%arg14 : memref<!tpu.dma_semaphore, #tpu.memory_space<semaphore_mem>>) src(%dma_wait3A_466 : memref<10000x128xf32, #tpu.memory_space<hbm>>) dst(%arg10 : memref<80x128xf32, #tpu.memory_space<vmem>>)
      %add3A_467 = arith.constant 2 : i32
      %add3A_468 = arith.addi %add3A_392, %add3A_467 : i32
      %mul3A_469 = arith.constant 80 : i32
      %mul3A_470 = arith.muli %add3A_468, %mul3A_469 : i32
      %multiple_of3A_471 = tpu.assume_multiple %mul3A_470, 8 : i32
      %dma_start3A_472 = tpu.memref_slice %arg7[%multiple_of3A_471] : memref<5040xi32, #tpu.memory_space<vmem>> -> memref<80xi32, #tpu.memory_space<vmem>>
      %dma_start3A_473 = arith.constant 0 : i32
      %dma_start3A_474 = arith.constant 0 : i32
      %dma_start3A_475 = tpu.memref_slice %arg11[%dma_start3A_473, %dma_start3A_474] : memref<10240x128xf32, #tpu.memory_space<vmem_shared>> -> memref<10240x128xf32, #tpu.memory_space<vmem_shared>>
      tpu.enqueue_indirect_dma source(%arg10 : memref<80x128xf32, #tpu.memory_space<vmem>>) target(%dma_start3A_475 : memref<10240x128xf32, #tpu.memory_space<vmem_shared>>) offsets(%dma_start3A_472 : memref<80xi32, #tpu.memory_space<vmem>>) semaphore(%arg17 : memref<!tpu.dma_semaphore, #tpu.memory_space<semaphore_mem>>) {add = true}
      %add3A_476 = arith.constant 1 : i32
      %add3A_477 = arith.addi %add3A_392, %add3A_476 : i32
      %mul3A_478 = arith.constant 80 : i32
      %mul3A_479 = arith.muli %add3A_477, %mul3A_478 : i32
      %multiple_of3A_480 = tpu.assume_multiple %mul3A_479, 8 : i32
      %dma_wait3A_481 = tpu.memref_slice %arg7[%multiple_of3A_480] : memref<5040xi32, #tpu.memory_space<vmem>> -> memref<80xi32, #tpu.memory_space<vmem>>
      %dma_wait3A_482 = arith.constant 0 : i32
      %dma_wait3A_483 = arith.constant 0 : i32
      %dma_wait3A_484 = tpu.memref_slice %arg11[%dma_wait3A_482, %dma_wait3A_483] : memref<10240x128xf32, #tpu.memory_space<vmem_shared>> -> memref<10240x128xf32, #tpu.memory_space<vmem_shared>>
      tpu.wait_indirect_dma semaphore(%arg16 : memref<!tpu.dma_semaphore, #tpu.memory_space<semaphore_mem>>) src(%arg9 : memref<80x128xf32, #tpu.memory_space<vmem>>) dst(%dma_wait3A_484 : memref<10240x128xf32, #tpu.memory_space<vmem_shared>>)
      %add3A_485 = arith.constant 4 : i32
      %add3A_486 = arith.addi %add3A_392, %add3A_485 : i32
      %mul3A_487 = arith.constant 80 : i32
      %mul3A_488 = arith.muli %add3A_486, %mul3A_487 : i32
      %multiple_of3A_489 = tpu.assume_multiple %mul3A_488, 8 : i32
      %dma_start3A_490 = tpu.memref_slice %arg6[%multiple_of3A_489] : memref<5040xi32, #tpu.memory_space<vmem>> -> memref<80xi32, #tpu.memory_space<vmem>>
      %dma_start3A_491 = arith.constant 0 : i32
      %dma_start3A_492 = arith.constant 0 : i32
      %dma_start3A_493 = tpu.memref_slice %arg3[%dma_start3A_491, %dma_start3A_492] : memref<10000x128xf32, #tpu.memory_space<hbm>> -> memref<10000x128xf32, #tpu.memory_space<hbm>>
      tpu.enqueue_indirect_dma source(%dma_start3A_493 : memref<10000x128xf32, #tpu.memory_space<hbm>>) target(%arg9 : memref<80x128xf32, #tpu.memory_space<vmem>>) offsets(%dma_start3A_490 : memref<80xi32, #tpu.memory_space<vmem>>) semaphore(%arg13 : memref<!tpu.dma_semaphore, #tpu.memory_space<semaphore_mem>>)
    }
    %scan3A_159 = arith.constant 19 : i32
    %multiple_of3A_160 = arith.constant 4800 : i32
    %multiple_of3A_161 = tpu.assume_multiple %multiple_of3A_160, 8 : i32
    %dma_wait3A_162 = tpu.memref_slice %arg6[%multiple_of3A_161] : memref<5040xi32, #tpu.memory_space<vmem>> -> memref<80xi32, #tpu.memory_space<vmem>>
    %dma_wait3A_163 = arith.constant 0 : i32
    %dma_wait3A_164 = arith.constant 0 : i32
    %dma_wait3A_165 = tpu.memref_slice %arg3[%dma_wait3A_163, %dma_wait3A_164] : memref<10000x128xf32, #tpu.memory_space<hbm>> -> memref<10000x128xf32, #tpu.memory_space<hbm>>
    tpu.wait_indirect_dma semaphore(%arg12 : memref<!tpu.dma_semaphore, #tpu.memory_space<semaphore_mem>>) src(%dma_wait3A_165 : memref<10000x128xf32, #tpu.memory_space<hbm>>) dst(%arg8 : memref<80x128xf32, #tpu.memory_space<vmem>>)
    %multiple_of3A_166 = arith.constant 4800 : i32
    %multiple_of3A_167 = tpu.assume_multiple %multiple_of3A_166, 8 : i32
    %dma_start3A_168 = tpu.memref_slice %arg7[%multiple_of3A_167] : memref<5040xi32, #tpu.memory_space<vmem>> -> memref<80xi32, #tpu.memory_space<vmem>>
    %dma_start3A_169 = arith.constant 0 : i32
    %dma_start3A_170 = arith.constant 0 : i32
    %dma_start3A_171 = tpu.memref_slice %arg11[%dma_start3A_169, %dma_start3A_170] : memref<10240x128xf32, #tpu.memory_space<vmem_shared>> -> memref<10240x128xf32, #tpu.memory_space<vmem_shared>>
    tpu.enqueue_indirect_dma source(%arg8 : memref<80x128xf32, #tpu.memory_space<vmem>>) target(%dma_start3A_171 : memref<10240x128xf32, #tpu.memory_space<vmem_shared>>) offsets(%dma_start3A_168 : memref<80xi32, #tpu.memory_space<vmem>>) semaphore(%arg15 : memref<!tpu.dma_semaphore, #tpu.memory_space<semaphore_mem>>) {add = true}
    %multiple_of3A_172 = arith.constant 4720 : i32
    %multiple_of3A_173 = tpu.assume_multiple %multiple_of3A_172, 8 : i32
    %dma_wait3A_174 = tpu.memref_slice %arg7[%multiple_of3A_173] : memref<5040xi32, #tpu.memory_space<vmem>> -> memref<80xi32, #tpu.memory_space<vmem>>
    %dma_wait3A_175 = arith.constant 0 : i32
    %dma_wait3A_176 = arith.constant 0 : i32
    %dma_wait3A_177 = tpu.memref_slice %arg11[%dma_wait3A_175, %dma_wait3A_176] : memref<10240x128xf32, #tpu.memory_space<vmem_shared>> -> memref<10240x128xf32, #tpu.memory_space<vmem_shared>>
    tpu.wait_indirect_dma semaphore(%arg17 : memref<!tpu.dma_semaphore, #tpu.memory_space<semaphore_mem>>) src(%arg10 : memref<80x128xf32, #tpu.memory_space<vmem>>) dst(%dma_wait3A_177 : memref<10240x128xf32, #tpu.memory_space<vmem_shared>>)
    %multiple_of3A_178 = arith.constant 4960 : i32
    %multiple_of3A_179 = tpu.assume_multiple %multiple_of3A_178, 8 : i32
    %dma_start3A_180 = tpu.memref_slice %arg6[%multiple_of3A_179] : memref<5040xi32, #tpu.memory_space<vmem>> -> memref<80xi32, #tpu.memory_space<vmem>>
    %dma_start3A_181 = arith.constant 0 : i32
    %dma_start3A_182 = arith.constant 0 : i32
    %dma_start3A_183 = tpu.memref_slice %arg3[%dma_start3A_181, %dma_start3A_182] : memref<10000x128xf32, #tpu.memory_space<hbm>> -> memref<10000x128xf32, #tpu.memory_space<hbm>>
    tpu.enqueue_indirect_dma source(%dma_start3A_183 : memref<10000x128xf32, #tpu.memory_space<hbm>>) target(%arg10 : memref<80x128xf32, #tpu.memory_space<vmem>>) offsets(%dma_start3A_180 : memref<80xi32, #tpu.memory_space<vmem>>) semaphore(%arg14 : memref<!tpu.dma_semaphore, #tpu.memory_space<semaphore_mem>>)
    %multiple_of3A_184 = arith.constant 4880 : i32
    %multiple_of3A_185 = tpu.assume_multiple %multiple_of3A_184, 8 : i32
    %dma_wait3A_186 = tpu.memref_slice %arg6[%multiple_of3A_185] : memref<5040xi32, #tpu.memory_space<vmem>> -> memref<80xi32, #tpu.memory_space<vmem>>
    %dma_wait3A_187 = arith.constant 0 : i32
    %dma_wait3A_188 = arith.constant 0 : i32
    %dma_wait3A_189 = tpu.memref_slice %arg3[%dma_wait3A_187, %dma_wait3A_188] : memref<10000x128xf32, #tpu.memory_space<hbm>> -> memref<10000x128xf32, #tpu.memory_space<hbm>>
    tpu.wait_indirect_dma semaphore(%arg13 : memref<!tpu.dma_semaphore, #tpu.memory_space<semaphore_mem>>) src(%dma_wait3A_189 : memref<10000x128xf32, #tpu.memory_space<hbm>>) dst(%arg9 : memref<80x128xf32, #tpu.memory_space<vmem>>)
    %multiple_of3A_190 = arith.constant 4880 : i32
    %multiple_of3A_191 = tpu.assume_multiple %multiple_of3A_190, 8 : i32
    %dma_start3A_192 = tpu.memref_slice %arg7[%multiple_of3A_191] : memref<5040xi32, #tpu.memory_space<vmem>> -> memref<80xi32, #tpu.memory_space<vmem>>
    %dma_start3A_193 = arith.constant 0 : i32
    %dma_start3A_194 = arith.constant 0 : i32
    %dma_start3A_195 = tpu.memref_slice %arg11[%dma_start3A_193, %dma_start3A_194] : memref<10240x128xf32, #tpu.memory_space<vmem_shared>> -> memref<10240x128xf32, #tpu.memory_space<vmem_shared>>
    tpu.enqueue_indirect_dma source(%arg9 : memref<80x128xf32, #tpu.memory_space<vmem>>) target(%dma_start3A_195 : memref<10240x128xf32, #tpu.memory_space<vmem_shared>>) offsets(%dma_start3A_192 : memref<80xi32, #tpu.memory_space<vmem>>) semaphore(%arg16 : memref<!tpu.dma_semaphore, #tpu.memory_space<semaphore_mem>>) {add = true}
    %multiple_of3A_196 = arith.constant 4960 : i32
    %multiple_of3A_197 = tpu.assume_multiple %multiple_of3A_196, 8 : i32
    %dma_wait3A_198 = tpu.memref_slice %arg6[%multiple_of3A_197] : memref<5040xi32, #tpu.memory_space<vmem>> -> memref<80xi32, #tpu.memory_space<vmem>>
    %dma_wait3A_199 = arith.constant 0 : i32
    %dma_wait3A_200 = arith.constant 0 : i32
    %dma_wait3A_201 = tpu.memref_slice %arg3[%dma_wait3A_199, %dma_wait3A_200] : memref<10000x128xf32, #tpu.memory_space<hbm>> -> memref<10000x128xf32, #tpu.memory_space<hbm>>
    tpu.wait_indirect_dma semaphore(%arg14 : memref<!tpu.dma_semaphore, #tpu.memory_space<semaphore_mem>>) src(%dma_wait3A_201 : memref<10000x128xf32, #tpu.memory_space<hbm>>) dst(%arg10 : memref<80x128xf32, #tpu.memory_space<vmem>>)
    %multiple_of3A_202 = arith.constant 4960 : i32
    %multiple_of3A_203 = tpu.assume_multiple %multiple_of3A_202, 8 : i32
    %dma_start3A_204 = tpu.memref_slice %arg7[%multiple_of3A_203] : memref<5040xi32, #tpu.memory_space<vmem>> -> memref<80xi32, #tpu.memory_space<vmem>>
    %dma_start3A_205 = arith.constant 0 : i32
    %dma_start3A_206 = arith.constant 0 : i32
    %dma_start3A_207 = tpu.memref_slice %arg11[%dma_start3A_205, %dma_start3A_206] : memref<10240x128xf32, #tpu.memory_space<vmem_shared>> -> memref<10240x128xf32, #tpu.memory_space<vmem_shared>>
    tpu.enqueue_indirect_dma source(%arg10 : memref<80x128xf32, #tpu.memory_space<vmem>>) target(%dma_start3A_207 : memref<10240x128xf32, #tpu.memory_space<vmem_shared>>) offsets(%dma_start3A_204 : memref<80xi32, #tpu.memory_space<vmem>>) semaphore(%arg17 : memref<!tpu.dma_semaphore, #tpu.memory_space<semaphore_mem>>) {add = true}
    %multiple_of3A_208 = arith.constant 4800 : i32
    %multiple_of3A_209 = tpu.assume_multiple %multiple_of3A_208, 8 : i32
    %dma_wait3A_210 = tpu.memref_slice %arg7[%multiple_of3A_209] : memref<5040xi32, #tpu.memory_space<vmem>> -> memref<80xi32, #tpu.memory_space<vmem>>
    %dma_wait3A_211 = arith.constant 0 : i32
    %dma_wait3A_212 = arith.constant 0 : i32
    %dma_wait3A_213 = tpu.memref_slice %arg11[%dma_wait3A_211, %dma_wait3A_212] : memref<10240x128xf32, #tpu.memory_space<vmem_shared>> -> memref<10240x128xf32, #tpu.memory_space<vmem_shared>>
    tpu.wait_indirect_dma semaphore(%arg15 : memref<!tpu.dma_semaphore, #tpu.memory_space<semaphore_mem>>) src(%arg8 : memref<80x128xf32, #tpu.memory_space<vmem>>) dst(%dma_wait3A_213 : memref<10240x128xf32, #tpu.memory_space<vmem_shared>>)
    %multiple_of3A_214 = arith.constant 4880 : i32
    %multiple_of3A_215 = tpu.assume_multiple %multiple_of3A_214, 8 : i32
    %dma_wait3A_216 = tpu.memref_slice %arg7[%multiple_of3A_215] : memref<5040xi32, #tpu.memory_space<vmem>> -> memref<80xi32, #tpu.memory_space<vmem>>
    %dma_wait3A_217 = arith.constant 0 : i32
    %dma_wait3A_218 = arith.constant 0 : i32
    %dma_wait3A_219 = tpu.memref_slice %arg11[%dma_wait3A_217, %dma_wait3A_218] : memref<10240x128xf32, #tpu.memory_space<vmem_shared>> -> memref<10240x128xf32, #tpu.memory_space<vmem_shared>>
    tpu.wait_indirect_dma semaphore(%arg16 : memref<!tpu.dma_semaphore, #tpu.memory_space<semaphore_mem>>) src(%arg9 : memref<80x128xf32, #tpu.memory_space<vmem>>) dst(%dma_wait3A_219 : memref<10240x128xf32, #tpu.memory_space<vmem_shared>>)
    %multiple_of3A_220 = arith.constant 4960 : i32
    %multiple_of3A_221 = tpu.assume_multiple %multiple_of3A_220, 8 : i32
    %dma_wait3A_222 = tpu.memref_slice %arg7[%multiple_of3A_221] : memref<5040xi32, #tpu.memory_space<vmem>> -> memref<80xi32, #tpu.memory_space<vmem>>
    %dma_wait3A_223 = arith.constant 0 : i32
    %dma_wait3A_224 = arith.constant 0 : i32
    %dma_wait3A_225 = tpu.memref_slice %arg11[%dma_wait3A_223, %dma_wait3A_224] : memref<10240x128xf32, #tpu.memory_space<vmem_shared>> -> memref<10240x128xf32, #tpu.memory_space<vmem_shared>>
    tpu.wait_indirect_dma semaphore(%arg17 : memref<!tpu.dma_semaphore, #tpu.memory_space<semaphore_mem>>) src(%arg10 : memref<80x128xf32, #tpu.memory_space<vmem>>) dst(%dma_wait3A_225 : memref<10240x128xf32, #tpu.memory_space<vmem_shared>>)
    %add3A_226 = arith.constant 5040 : i32
    %add3A_227 = arith.addi %multiple_of3A, %add3A_226 : i32
    %add3A_228 = arith.constant 5040 : i32
    %add3A_229 = arith.addi %multiple_of3A_7, %add3A_228 : i32
    %dma_start3A_230 = arith.constant 0 : i32
    %dma_start3A_231 = tpu.memref_slice %arg6[%dma_start3A_230] : memref<5040xi32, #tpu.memory_space<vmem>> -> memref<4960xi32, #tpu.memory_space<vmem>>
    %dma_start3A_232 = tpu.memref_slice %arg2[%add3A_227] : memref<640000xi32, #tpu.memory_space<hbm>> -> memref<4960xi32, #tpu.memory_space<hbm>>
    %dma_start3A_233 = arith.constant 0 : i32
    %dma_start3A_234 = tpu.memref_slice %arg6[%dma_start3A_233] : memref<5040xi32, #tpu.memory_space<vmem>> -> memref<4960xi32, #tpu.memory_space<vmem>>
    %dma_start3A_235 = tpu.memref_slice %arg2[%add3A_227] : memref<640000xi32, #tpu.memory_space<hbm>> -> memref<4960xi32, #tpu.memory_space<hbm>>
    tpu.enqueue_dma source(%dma_start3A_235 : memref<4960xi32, #tpu.memory_space<hbm>>) target(%dma_start3A_234 : memref<4960xi32, #tpu.memory_space<vmem>>) target_semaphore(%arg12 : memref<!tpu.dma_semaphore, #tpu.memory_space<semaphore_mem>>)
    %dma_start3A_236 = arith.constant 0 : i32
    %dma_start3A_237 = tpu.memref_slice %arg7[%dma_start3A_236] : memref<5040xi32, #tpu.memory_space<vmem>> -> memref<4960xi32, #tpu.memory_space<vmem>>
    %dma_start3A_238 = tpu.memref_slice %arg2[%add3A_229] : memref<640000xi32, #tpu.memory_space<hbm>> -> memref<4960xi32, #tpu.memory_space<hbm>>
    %dma_start3A_239 = arith.constant 0 : i32
    %dma_start3A_240 = tpu.memref_slice %arg7[%dma_start3A_239] : memref<5040xi32, #tpu.memory_space<vmem>> -> memref<4960xi32, #tpu.memory_space<vmem>>
    %dma_start3A_241 = tpu.memref_slice %arg2[%add3A_229] : memref<640000xi32, #tpu.memory_space<hbm>> -> memref<4960xi32, #tpu.memory_space<hbm>>
    tpu.enqueue_dma source(%dma_start3A_241 : memref<4960xi32, #tpu.memory_space<hbm>>) target(%dma_start3A_240 : memref<4960xi32, #tpu.memory_space<vmem>>) target_semaphore(%arg17 : memref<!tpu.dma_semaphore, #tpu.memory_space<semaphore_mem>>)
    %dma_wait3A_242 = arith.constant 0 : i32
    %dma_wait3A_243 = tpu.memref_slice %arg6[%dma_wait3A_242] : memref<5040xi32, #tpu.memory_space<vmem>> -> memref<4960xi32, #tpu.memory_space<vmem>>
    %dma_wait3A_244 = tpu.memref_slice %arg2[%add3A_227] : memref<640000xi32, #tpu.memory_space<hbm>> -> memref<4960xi32, #tpu.memory_space<hbm>>
    %dma_wait3A_245 = arith.constant 0 : i32
    %dma_wait3A_246 = tpu.memref_slice %arg6[%dma_wait3A_245] : memref<5040xi32, #tpu.memory_space<vmem>> -> memref<4960xi32, #tpu.memory_space<vmem>>
    %dma_wait3A_247 = tpu.memref_slice %arg2[%add3A_227] : memref<640000xi32, #tpu.memory_space<hbm>> -> memref<4960xi32, #tpu.memory_space<hbm>>
    tpu.wait_dma2 semaphore(%arg12 : memref<!tpu.dma_semaphore, #tpu.memory_space<semaphore_mem>>) src(%dma_wait3A_247 : memref<4960xi32, #tpu.memory_space<hbm>>) dst(%dma_wait3A_246 : memref<4960xi32, #tpu.memory_space<vmem>>)
    %multiple_of3A_248 = arith.constant 0 : i32
    %multiple_of3A_249 = tpu.assume_multiple %multiple_of3A_248, 8 : i32
    %dma_start3A_250 = tpu.memref_slice %arg6[%multiple_of3A_249] : memref<5040xi32, #tpu.memory_space<vmem>> -> memref<80xi32, #tpu.memory_space<vmem>>
    %dma_start3A_251 = arith.constant 0 : i32
    %dma_start3A_252 = arith.constant 0 : i32
    %dma_start3A_253 = tpu.memref_slice %arg3[%dma_start3A_251, %dma_start3A_252] : memref<10000x128xf32, #tpu.memory_space<hbm>> -> memref<10000x128xf32, #tpu.memory_space<hbm>>
    tpu.enqueue_indirect_dma source(%dma_start3A_253 : memref<10000x128xf32, #tpu.memory_space<hbm>>) target(%arg8 : memref<80x128xf32, #tpu.memory_space<vmem>>) offsets(%dma_start3A_250 : memref<80xi32, #tpu.memory_space<vmem>>) semaphore(%arg12 : memref<!tpu.dma_semaphore, #tpu.memory_space<semaphore_mem>>)
    %multiple_of3A_254 = arith.constant 80 : i32
    %multiple_of3A_255 = tpu.assume_multiple %multiple_of3A_254, 8 : i32
    %dma_start3A_256 = tpu.memref_slice %arg6[%multiple_of3A_255] : memref<5040xi32, #tpu.memory_space<vmem>> -> memref<80xi32, #tpu.memory_space<vmem>>
    %dma_start3A_257 = arith.constant 0 : i32
    %dma_start3A_258 = arith.constant 0 : i32
    %dma_start3A_259 = tpu.memref_slice %arg3[%dma_start3A_257, %dma_start3A_258] : memref<10000x128xf32, #tpu.memory_space<hbm>> -> memref<10000x128xf32, #tpu.memory_space<hbm>>
    tpu.enqueue_indirect_dma source(%dma_start3A_259 : memref<10000x128xf32, #tpu.memory_space<hbm>>) target(%arg9 : memref<80x128xf32, #tpu.memory_space<vmem>>) offsets(%dma_start3A_256 : memref<80xi32, #tpu.memory_space<vmem>>) semaphore(%arg13 : memref<!tpu.dma_semaphore, #tpu.memory_space<semaphore_mem>>)
    %dma_wait3A_260 = arith.constant 0 : i32
    %dma_wait3A_261 = tpu.memref_slice %arg7[%dma_wait3A_260] : memref<5040xi32, #tpu.memory_space<vmem>> -> memref<4960xi32, #tpu.memory_space<vmem>>
    %dma_wait3A_262 = tpu.memref_slice %arg2[%add3A_229] : memref<640000xi32, #tpu.memory_space<hbm>> -> memref<4960xi32, #tpu.memory_space<hbm>>
    %dma_wait3A_263 = arith.constant 0 : i32
    %dma_wait3A_264 = tpu.memref_slice %arg7[%dma_wait3A_263] : memref<5040xi32, #tpu.memory_space<vmem>> -> memref<4960xi32, #tpu.memory_space<vmem>>
    %dma_wait3A_265 = tpu.memref_slice %arg2[%add3A_229] : memref<640000xi32, #tpu.memory_space<hbm>> -> memref<4960xi32, #tpu.memory_space<hbm>>
    tpu.wait_dma2 semaphore(%arg17 : memref<!tpu.dma_semaphore, #tpu.memory_space<semaphore_mem>>) src(%dma_wait3A_265 : memref<4960xi32, #tpu.memory_space<hbm>>) dst(%dma_wait3A_264 : memref<4960xi32, #tpu.memory_space<vmem>>)
    %multiple_of3A_266 = arith.constant 0 : i32
    %multiple_of3A_267 = tpu.assume_multiple %multiple_of3A_266, 8 : i32
    %dma_wait3A_268 = tpu.memref_slice %arg6[%multiple_of3A_267] : memref<5040xi32, #tpu.memory_space<vmem>> -> memref<80xi32, #tpu.memory_space<vmem>>
    %dma_wait3A_269 = arith.constant 0 : i32
    %dma_wait3A_270 = arith.constant 0 : i32
    %dma_wait3A_271 = tpu.memref_slice %arg3[%dma_wait3A_269, %dma_wait3A_270] : memref<10000x128xf32, #tpu.memory_space<hbm>> -> memref<10000x128xf32, #tpu.memory_space<hbm>>
    tpu.wait_indirect_dma semaphore(%arg12 : memref<!tpu.dma_semaphore, #tpu.memory_space<semaphore_mem>>) src(%dma_wait3A_271 : memref<10000x128xf32, #tpu.memory_space<hbm>>) dst(%arg8 : memref<80x128xf32, #tpu.memory_space<vmem>>)
    %multiple_of3A_272 = arith.constant 0 : i32
    %multiple_of3A_273 = tpu.assume_multiple %multiple_of3A_272, 8 : i32
    %dma_start3A_274 = tpu.memref_slice %arg7[%multiple_of3A_273] : memref<5040xi32, #tpu.memory_space<vmem>> -> memref<80xi32, #tpu.memory_space<vmem>>
    %dma_start3A_275 = arith.constant 0 : i32
    %dma_start3A_276 = arith.constant 0 : i32
    %dma_start3A_277 = tpu.memref_slice %arg11[%dma_start3A_275, %dma_start3A_276] : memref<10240x128xf32, #tpu.memory_space<vmem_shared>> -> memref<10240x128xf32, #tpu.memory_space<vmem_shared>>
    tpu.enqueue_indirect_dma source(%arg8 : memref<80x128xf32, #tpu.memory_space<vmem>>) target(%dma_start3A_277 : memref<10240x128xf32, #tpu.memory_space<vmem_shared>>) offsets(%dma_start3A_274 : memref<80xi32, #tpu.memory_space<vmem>>) semaphore(%arg15 : memref<!tpu.dma_semaphore, #tpu.memory_space<semaphore_mem>>) {add = true}
    %multiple_of3A_278 = arith.constant 160 : i32
    %multiple_of3A_279 = tpu.assume_multiple %multiple_of3A_278, 8 : i32
    %dma_start3A_280 = tpu.memref_slice %arg6[%multiple_of3A_279] : memref<5040xi32, #tpu.memory_space<vmem>> -> memref<80xi32, #tpu.memory_space<vmem>>
    %dma_start3A_281 = arith.constant 0 : i32
    %dma_start3A_282 = arith.constant 0 : i32
    %dma_start3A_283 = tpu.memref_slice %arg3[%dma_start3A_281, %dma_start3A_282] : memref<10000x128xf32, #tpu.memory_space<hbm>> -> memref<10000x128xf32, #tpu.memory_space<hbm>>
    tpu.enqueue_indirect_dma source(%dma_start3A_283 : memref<10000x128xf32, #tpu.memory_space<hbm>>) target(%arg10 : memref<80x128xf32, #tpu.memory_space<vmem>>) offsets(%dma_start3A_280 : memref<80xi32, #tpu.memory_space<vmem>>) semaphore(%arg14 : memref<!tpu.dma_semaphore, #tpu.memory_space<semaphore_mem>>)
    %multiple_of3A_284 = arith.constant 80 : i32
    %multiple_of3A_285 = tpu.assume_multiple %multiple_of3A_284, 8 : i32
    %dma_wait3A_286 = tpu.memref_slice %arg6[%multiple_of3A_285] : memref<5040xi32, #tpu.memory_space<vmem>> -> memref<80xi32, #tpu.memory_space<vmem>>
    %dma_wait3A_287 = arith.constant 0 : i32
    %dma_wait3A_288 = arith.constant 0 : i32
    %dma_wait3A_289 = tpu.memref_slice %arg3[%dma_wait3A_287, %dma_wait3A_288] : memref<10000x128xf32, #tpu.memory_space<hbm>> -> memref<10000x128xf32, #tpu.memory_space<hbm>>
    tpu.wait_indirect_dma semaphore(%arg13 : memref<!tpu.dma_semaphore, #tpu.memory_space<semaphore_mem>>) src(%dma_wait3A_289 : memref<10000x128xf32, #tpu.memory_space<hbm>>) dst(%arg9 : memref<80x128xf32, #tpu.memory_space<vmem>>)
    %multiple_of3A_290 = arith.constant 80 : i32
    %multiple_of3A_291 = tpu.assume_multiple %multiple_of3A_290, 8 : i32
    %dma_start3A_292 = tpu.memref_slice %arg7[%multiple_of3A_291] : memref<5040xi32, #tpu.memory_space<vmem>> -> memref<80xi32, #tpu.memory_space<vmem>>
    %dma_start3A_293 = arith.constant 0 : i32
    %dma_start3A_294 = arith.constant 0 : i32
    %dma_start3A_295 = tpu.memref_slice %arg11[%dma_start3A_293, %dma_start3A_294] : memref<10240x128xf32, #tpu.memory_space<vmem_shared>> -> memref<10240x128xf32, #tpu.memory_space<vmem_shared>>
    tpu.enqueue_indirect_dma source(%arg9 : memref<80x128xf32, #tpu.memory_space<vmem>>) target(%dma_start3A_295 : memref<10240x128xf32, #tpu.memory_space<vmem_shared>>) offsets(%dma_start3A_292 : memref<80xi32, #tpu.memory_space<vmem>>) semaphore(%arg16 : memref<!tpu.dma_semaphore, #tpu.memory_space<semaphore_mem>>) {add = true}
    %multiple_of3A_296 = arith.constant 0 : i32
    %multiple_of3A_297 = tpu.assume_multiple %multiple_of3A_296, 8 : i32
    %dma_wait3A_298 = tpu.memref_slice %arg7[%multiple_of3A_297] : memref<5040xi32, #tpu.memory_space<vmem>> -> memref<80xi32, #tpu.memory_space<vmem>>
    %dma_wait3A_299 = arith.constant 0 : i32
    %dma_wait3A_300 = arith.constant 0 : i32
    %dma_wait3A_301 = tpu.memref_slice %arg11[%dma_wait3A_299, %dma_wait3A_300] : memref<10240x128xf32, #tpu.memory_space<vmem_shared>> -> memref<10240x128xf32, #tpu.memory_space<vmem_shared>>
    tpu.wait_indirect_dma semaphore(%arg15 : memref<!tpu.dma_semaphore, #tpu.memory_space<semaphore_mem>>) src(%arg8 : memref<80x128xf32, #tpu.memory_space<vmem>>) dst(%dma_wait3A_301 : memref<10240x128xf32, #tpu.memory_space<vmem_shared>>)
    %multiple_of3A_302 = arith.constant 240 : i32
    %multiple_of3A_303 = tpu.assume_multiple %multiple_of3A_302, 8 : i32
    %dma_start3A_304 = tpu.memref_slice %arg6[%multiple_of3A_303] : memref<5040xi32, #tpu.memory_space<vmem>> -> memref<80xi32, #tpu.memory_space<vmem>>
    %dma_start3A_305 = arith.constant 0 : i32
    %dma_start3A_306 = arith.constant 0 : i32
    %dma_start3A_307 = tpu.memref_slice %arg3[%dma_start3A_305, %dma_start3A_306] : memref<10000x128xf32, #tpu.memory_space<hbm>> -> memref<10000x128xf32, #tpu.memory_space<hbm>>
    tpu.enqueue_indirect_dma source(%dma_start3A_307 : memref<10000x128xf32, #tpu.memory_space<hbm>>) target(%arg8 : memref<80x128xf32, #tpu.memory_space<vmem>>) offsets(%dma_start3A_304 : memref<80xi32, #tpu.memory_space<vmem>>) semaphore(%arg12 : memref<!tpu.dma_semaphore, #tpu.memory_space<semaphore_mem>>)
    %multiple_of3A_308 = arith.constant 160 : i32
    %multiple_of3A_309 = tpu.assume_multiple %multiple_of3A_308, 8 : i32
    %dma_wait3A_310 = tpu.memref_slice %arg6[%multiple_of3A_309] : memref<5040xi32, #tpu.memory_space<vmem>> -> memref<80xi32, #tpu.memory_space<vmem>>
    %dma_wait3A_311 = arith.constant 0 : i32
    %dma_wait3A_312 = arith.constant 0 : i32
    %dma_wait3A_313 = tpu.memref_slice %arg3[%dma_wait3A_311, %dma_wait3A_312] : memref<10000x128xf32, #tpu.memory_space<hbm>> -> memref<10000x128xf32, #tpu.memory_space<hbm>>
    tpu.wait_indirect_dma semaphore(%arg14 : memref<!tpu.dma_semaphore, #tpu.memory_space<semaphore_mem>>) src(%dma_wait3A_313 : memref<10000x128xf32, #tpu.memory_space<hbm>>) dst(%arg10 : memref<80x128xf32, #tpu.memory_space<vmem>>)
    %multiple_of3A_314 = arith.constant 160 : i32
    %multiple_of3A_315 = tpu.assume_multiple %multiple_of3A_314, 8 : i32
    %dma_start3A_316 = tpu.memref_slice %arg7[%multiple_of3A_315] : memref<5040xi32, #tpu.memory_space<vmem>> -> memref<80xi32, #tpu.memory_space<vmem>>
    %dma_start3A_317 = arith.constant 0 : i32
    %dma_start3A_318 = arith.constant 0 : i32
    %dma_start3A_319 = tpu.memref_slice %arg11[%dma_start3A_317, %dma_start3A_318] : memref<10240x128xf32, #tpu.memory_space<vmem_shared>> -> memref<10240x128xf32, #tpu.memory_space<vmem_shared>>
    tpu.enqueue_indirect_dma source(%arg10 : memref<80x128xf32, #tpu.memory_space<vmem>>) target(%dma_start3A_319 : memref<10240x128xf32, #tpu.memory_space<vmem_shared>>) offsets(%dma_start3A_316 : memref<80xi32, #tpu.memory_space<vmem>>) semaphore(%arg17 : memref<!tpu.dma_semaphore, #tpu.memory_space<semaphore_mem>>) {add = true}
    %multiple_of3A_320 = arith.constant 80 : i32
    %multiple_of3A_321 = tpu.assume_multiple %multiple_of3A_320, 8 : i32
    %dma_wait3A_322 = tpu.memref_slice %arg7[%multiple_of3A_321] : memref<5040xi32, #tpu.memory_space<vmem>> -> memref<80xi32, #tpu.memory_space<vmem>>
    %dma_wait3A_323 = arith.constant 0 : i32
    %dma_wait3A_324 = arith.constant 0 : i32
    %dma_wait3A_325 = tpu.memref_slice %arg11[%dma_wait3A_323, %dma_wait3A_324] : memref<10240x128xf32, #tpu.memory_space<vmem_shared>> -> memref<10240x128xf32, #tpu.memory_space<vmem_shared>>
    tpu.wait_indirect_dma semaphore(%arg16 : memref<!tpu.dma_semaphore, #tpu.memory_space<semaphore_mem>>) src(%arg9 : memref<80x128xf32, #tpu.memory_space<vmem>>) dst(%dma_wait3A_325 : memref<10240x128xf32, #tpu.memory_space<vmem_shared>>)
    %multiple_of3A_326 = arith.constant 320 : i32
    %multiple_of3A_327 = tpu.assume_multiple %multiple_of3A_326, 8 : i32
    %dma_start3A_328 = tpu.memref_slice %arg6[%multiple_of3A_327] : memref<5040xi32, #tpu.memory_space<vmem>> -> memref<80xi32, #tpu.memory_space<vmem>>
    %dma_start3A_329 = arith.constant 0 : i32
    %dma_start3A_330 = arith.constant 0 : i32
    %dma_start3A_331 = tpu.memref_slice %arg3[%dma_start3A_329, %dma_start3A_330] : memref<10000x128xf32, #tpu.memory_space<hbm>> -> memref<10000x128xf32, #tpu.memory_space<hbm>>
    tpu.enqueue_indirect_dma source(%dma_start3A_331 : memref<10000x128xf32, #tpu.memory_space<hbm>>) target(%arg9 : memref<80x128xf32, #tpu.memory_space<vmem>>) offsets(%dma_start3A_328 : memref<80xi32, #tpu.memory_space<vmem>>) semaphore(%arg13 : memref<!tpu.dma_semaphore, #tpu.memory_space<semaphore_mem>>)
    %scan3A_332 = arith.constant 0 : i32
    %scan3A_333 = arith.constant 0 : i32
    %scan3A_334 = arith.constant 19 : i32
    %scan3A_335 = arith.addi %scan3A_333, %scan3A_334 : i32
    %scan3A_336 = arith.constant 1 : i32
    scf.for %scan3A_388 = %scan3A_333 to %scan3A_335 step %scan3A_336  : i32 {
      %mul3A_389 = arith.constant 3 : i32
      %mul3A_390 = arith.muli %mul3A_389, %scan3A_388 : i32
      %add3A_391 = arith.constant 3 : i32
      %add3A_392 = arith.addi %mul3A_390, %add3A_391 : i32
      %mul3A_393 = arith.constant 80 : i32
      %mul3A_394 = arith.muli %add3A_392, %mul3A_393 : i32
      %multiple_of3A_395 = tpu.assume_multiple %mul3A_394, 8 : i32
      %dma_wait3A_396 = tpu.memref_slice %arg6[%multiple_of3A_395] : memref<5040xi32, #tpu.memory_space<vmem>> -> memref<80xi32, #tpu.memory_space<vmem>>
      %dma_wait3A_397 = arith.constant 0 : i32
      %dma_wait3A_398 = arith.constant 0 : i32
      %dma_wait3A_399 = tpu.memref_slice %arg3[%dma_wait3A_397, %dma_wait3A_398] : memref<10000x128xf32, #tpu.memory_space<hbm>> -> memref<10000x128xf32, #tpu.memory_space<hbm>>
      tpu.wait_indirect_dma semaphore(%arg12 : memref<!tpu.dma_semaphore, #tpu.memory_space<semaphore_mem>>) src(%dma_wait3A_399 : memref<10000x128xf32, #tpu.memory_space<hbm>>) dst(%arg8 : memref<80x128xf32, #tpu.memory_space<vmem>>)
      %mul3A_400 = arith.constant 80 : i32
      %mul3A_401 = arith.muli %add3A_392, %mul3A_400 : i32
      %multiple_of3A_402 = tpu.assume_multiple %mul3A_401, 8 : i32
      %dma_start3A_403 = tpu.memref_slice %arg7[%multiple_of3A_402] : memref<5040xi32, #tpu.memory_space<vmem>> -> memref<80xi32, #tpu.memory_space<vmem>>
      %dma_start3A_404 = arith.constant 0 : i32
      %dma_start3A_405 = arith.constant 0 : i32
      %dma_start3A_406 = tpu.memref_slice %arg11[%dma_start3A_404, %dma_start3A_405] : memref<10240x128xf32, #tpu.memory_space<vmem_shared>> -> memref<10240x128xf32, #tpu.memory_space<vmem_shared>>
      tpu.enqueue_indirect_dma source(%arg8 : memref<80x128xf32, #tpu.memory_space<vmem>>) target(%dma_start3A_406 : memref<10240x128xf32, #tpu.memory_space<vmem_shared>>) offsets(%dma_start3A_403 : memref<80xi32, #tpu.memory_space<vmem>>) semaphore(%arg15 : memref<!tpu.dma_semaphore, #tpu.memory_space<semaphore_mem>>) {add = true}
      %sub3A = arith.constant 1 : i32
      %sub3A_407 = arith.subi %add3A_392, %sub3A : i32
      %mul3A_408 = arith.constant 80 : i32
      %mul3A_409 = arith.muli %sub3A_407, %mul3A_408 : i32
      %multiple_of3A_410 = tpu.assume_multiple %mul3A_409, 8 : i32
      %dma_wait3A_411 = tpu.memref_slice %arg7[%multiple_of3A_410] : memref<5040xi32, #tpu.memory_space<vmem>> -> memref<80xi32, #tpu.memory_space<vmem>>
      %dma_wait3A_412 = arith.constant 0 : i32
      %dma_wait3A_413 = arith.constant 0 : i32
      %dma_wait3A_414 = tpu.memref_slice %arg11[%dma_wait3A_412, %dma_wait3A_413] : memref<10240x128xf32, #tpu.memory_space<vmem_shared>> -> memref<10240x128xf32, #tpu.memory_space<vmem_shared>>
      tpu.wait_indirect_dma semaphore(%arg17 : memref<!tpu.dma_semaphore, #tpu.memory_space<semaphore_mem>>) src(%arg10 : memref<80x128xf32, #tpu.memory_space<vmem>>) dst(%dma_wait3A_414 : memref<10240x128xf32, #tpu.memory_space<vmem_shared>>)
      %add3A_415 = arith.constant 2 : i32
      %add3A_416 = arith.addi %add3A_392, %add3A_415 : i32
      %mul3A_417 = arith.constant 80 : i32
      %mul3A_418 = arith.muli %add3A_416, %mul3A_417 : i32
      %multiple_of3A_419 = tpu.assume_multiple %mul3A_418, 8 : i32
      %dma_start3A_420 = tpu.memref_slice %arg6[%multiple_of3A_419] : memref<5040xi32, #tpu.memory_space<vmem>> -> memref<80xi32, #tpu.memory_space<vmem>>
      %dma_start3A_421 = arith.constant 0 : i32
      %dma_start3A_422 = arith.constant 0 : i32
      %dma_start3A_423 = tpu.memref_slice %arg3[%dma_start3A_421, %dma_start3A_422] : memref<10000x128xf32, #tpu.memory_space<hbm>> -> memref<10000x128xf32, #tpu.memory_space<hbm>>
      tpu.enqueue_indirect_dma source(%dma_start3A_423 : memref<10000x128xf32, #tpu.memory_space<hbm>>) target(%arg10 : memref<80x128xf32, #tpu.memory_space<vmem>>) offsets(%dma_start3A_420 : memref<80xi32, #tpu.memory_space<vmem>>) semaphore(%arg14 : memref<!tpu.dma_semaphore, #tpu.memory_space<semaphore_mem>>)
      %add3A_424 = arith.constant 1 : i32
      %add3A_425 = arith.addi %add3A_392, %add3A_424 : i32
      %mul3A_426 = arith.constant 80 : i32
      %mul3A_427 = arith.muli %add3A_425, %mul3A_426 : i32
      %multiple_of3A_428 = tpu.assume_multiple %mul3A_427, 8 : i32
      %dma_wait3A_429 = tpu.memref_slice %arg6[%multiple_of3A_428] : memref<5040xi32, #tpu.memory_space<vmem>> -> memref<80xi32, #tpu.memory_space<vmem>>
      %dma_wait3A_430 = arith.constant 0 : i32
      %dma_wait3A_431 = arith.constant 0 : i32
      %dma_wait3A_432 = tpu.memref_slice %arg3[%dma_wait3A_430, %dma_wait3A_431] : memref<10000x128xf32, #tpu.memory_space<hbm>> -> memref<10000x128xf32, #tpu.memory_space<hbm>>
      tpu.wait_indirect_dma semaphore(%arg13 : memref<!tpu.dma_semaphore, #tpu.memory_space<semaphore_mem>>) src(%dma_wait3A_432 : memref<10000x128xf32, #tpu.memory_space<hbm>>) dst(%arg9 : memref<80x128xf32, #tpu.memory_space<vmem>>)
      %add3A_433 = arith.constant 1 : i32
      %add3A_434 = arith.addi %add3A_392, %add3A_433 : i32
      %mul3A_435 = arith.constant 80 : i32
      %mul3A_436 = arith.muli %add3A_434, %mul3A_435 : i32
      %multiple_of3A_437 = tpu.assume_multiple %mul3A_436, 8 : i32
      %dma_start3A_438 = tpu.memref_slice %arg7[%multiple_of3A_437] : memref<5040xi32, #tpu.memory_space<vmem>> -> memref<80xi32, #tpu.memory_space<vmem>>
      %dma_start3A_439 = arith.constant 0 : i32
      %dma_start3A_440 = arith.constant 0 : i32
      %dma_start3A_441 = tpu.memref_slice %arg11[%dma_start3A_439, %dma_start3A_440] : memref<10240x128xf32, #tpu.memory_space<vmem_shared>> -> memref<10240x128xf32, #tpu.memory_space<vmem_shared>>
      tpu.enqueue_indirect_dma source(%arg9 : memref<80x128xf32, #tpu.memory_space<vmem>>) target(%dma_start3A_441 : memref<10240x128xf32, #tpu.memory_space<vmem_shared>>) offsets(%dma_start3A_438 : memref<80xi32, #tpu.memory_space<vmem>>) semaphore(%arg16 : memref<!tpu.dma_semaphore, #tpu.memory_space<semaphore_mem>>) {add = true}
      %mul3A_442 = arith.constant 80 : i32
      %mul3A_443 = arith.muli %add3A_392, %mul3A_442 : i32
      %multiple_of3A_444 = tpu.assume_multiple %mul3A_443, 8 : i32
      %dma_wait3A_445 = tpu.memref_slice %arg7[%multiple_of3A_444] : memref<5040xi32, #tpu.memory_space<vmem>> -> memref<80xi32, #tpu.memory_space<vmem>>
      %dma_wait3A_446 = arith.constant 0 : i32
      %dma_wait3A_447 = arith.constant 0 : i32
      %dma_wait3A_448 = tpu.memref_slice %arg11[%dma_wait3A_446, %dma_wait3A_447] : memref<10240x128xf32, #tpu.memory_space<vmem_shared>> -> memref<10240x128xf32, #tpu.memory_space<vmem_shared>>
      tpu.wait_indirect_dma semaphore(%arg15 : memref<!tpu.dma_semaphore, #tpu.memory_space<semaphore_mem>>) src(%arg8 : memref<80x128xf32, #tpu.memory_space<vmem>>) dst(%dma_wait3A_448 : memref<10240x128xf32, #tpu.memory_space<vmem_shared>>)
      %add3A_449 = arith.constant 3 : i32
      %add3A_450 = arith.addi %add3A_392, %add3A_449 : i32
      %mul3A_451 = arith.constant 80 : i32
      %mul3A_452 = arith.muli %add3A_450, %mul3A_451 : i32
      %multiple_of3A_453 = tpu.assume_multiple %mul3A_452, 8 : i32
      %dma_start3A_454 = tpu.memref_slice %arg6[%multiple_of3A_453] : memref<5040xi32, #tpu.memory_space<vmem>> -> memref<80xi32, #tpu.memory_space<vmem>>
      %dma_start3A_455 = arith.constant 0 : i32
      %dma_start3A_456 = arith.constant 0 : i32
      %dma_start3A_457 = tpu.memref_slice %arg3[%dma_start3A_455, %dma_start3A_456] : memref<10000x128xf32, #tpu.memory_space<hbm>> -> memref<10000x128xf32, #tpu.memory_space<hbm>>
      tpu.enqueue_indirect_dma source(%dma_start3A_457 : memref<10000x128xf32, #tpu.memory_space<hbm>>) target(%arg8 : memref<80x128xf32, #tpu.memory_space<vmem>>) offsets(%dma_start3A_454 : memref<80xi32, #tpu.memory_space<vmem>>) semaphore(%arg12 : memref<!tpu.dma_semaphore, #tpu.memory_space<semaphore_mem>>)
      %add3A_458 = arith.constant 2 : i32
      %add3A_459 = arith.addi %add3A_392, %add3A_458 : i32
      %mul3A_460 = arith.constant 80 : i32
      %mul3A_461 = arith.muli %add3A_459, %mul3A_460 : i32
      %multiple_of3A_462 = tpu.assume_multiple %mul3A_461, 8 : i32
      %dma_wait3A_463 = tpu.memref_slice %arg6[%multiple_of3A_462] : memref<5040xi32, #tpu.memory_space<vmem>> -> memref<80xi32, #tpu.memory_space<vmem>>
      %dma_wait3A_464 = arith.constant 0 : i32
      %dma_wait3A_465 = arith.constant 0 : i32
      %dma_wait3A_466 = tpu.memref_slice %arg3[%dma_wait3A_464, %dma_wait3A_465] : memref<10000x128xf32, #tpu.memory_space<hbm>> -> memref<10000x128xf32, #tpu.memory_space<hbm>>
      tpu.wait_indirect_dma semaphore(%arg14 : memref<!tpu.dma_semaphore, #tpu.memory_space<semaphore_mem>>) src(%dma_wait3A_466 : memref<10000x128xf32, #tpu.memory_space<hbm>>) dst(%arg10 : memref<80x128xf32, #tpu.memory_space<vmem>>)
      %add3A_467 = arith.constant 2 : i32
      %add3A_468 = arith.addi %add3A_392, %add3A_467 : i32
      %mul3A_469 = arith.constant 80 : i32
      %mul3A_470 = arith.muli %add3A_468, %mul3A_469 : i32
      %multiple_of3A_471 = tpu.assume_multiple %mul3A_470, 8 : i32
      %dma_start3A_472 = tpu.memref_slice %arg7[%multiple_of3A_471] : memref<5040xi32, #tpu.memory_space<vmem>> -> memref<80xi32, #tpu.memory_space<vmem>>
      %dma_start3A_473 = arith.constant 0 : i32
      %dma_start3A_474 = arith.constant 0 : i32
      %dma_start3A_475 = tpu.memref_slice %arg11[%dma_start3A_473, %dma_start3A_474] : memref<10240x128xf32, #tpu.memory_space<vmem_shared>> -> memref<10240x128xf32, #tpu.memory_space<vmem_shared>>
      tpu.enqueue_indirect_dma source(%arg10 : memref<80x128xf32, #tpu.memory_space<vmem>>) target(%dma_start3A_475 : memref<10240x128xf32, #tpu.memory_space<vmem_shared>>) offsets(%dma_start3A_472 : memref<80xi32, #tpu.memory_space<vmem>>) semaphore(%arg17 : memref<!tpu.dma_semaphore, #tpu.memory_space<semaphore_mem>>) {add = true}
      %add3A_476 = arith.constant 1 : i32
      %add3A_477 = arith.addi %add3A_392, %add3A_476 : i32
      %mul3A_478 = arith.constant 80 : i32
      %mul3A_479 = arith.muli %add3A_477, %mul3A_478 : i32
      %multiple_of3A_480 = tpu.assume_multiple %mul3A_479, 8 : i32
      %dma_wait3A_481 = tpu.memref_slice %arg7[%multiple_of3A_480] : memref<5040xi32, #tpu.memory_space<vmem>> -> memref<80xi32, #tpu.memory_space<vmem>>
      %dma_wait3A_482 = arith.constant 0 : i32
      %dma_wait3A_483 = arith.constant 0 : i32
      %dma_wait3A_484 = tpu.memref_slice %arg11[%dma_wait3A_482, %dma_wait3A_483] : memref<10240x128xf32, #tpu.memory_space<vmem_shared>> -> memref<10240x128xf32, #tpu.memory_space<vmem_shared>>
      tpu.wait_indirect_dma semaphore(%arg16 : memref<!tpu.dma_semaphore, #tpu.memory_space<semaphore_mem>>) src(%arg9 : memref<80x128xf32, #tpu.memory_space<vmem>>) dst(%dma_wait3A_484 : memref<10240x128xf32, #tpu.memory_space<vmem_shared>>)
      %add3A_485 = arith.constant 4 : i32
      %add3A_486 = arith.addi %add3A_392, %add3A_485 : i32
      %mul3A_487 = arith.constant 80 : i32
      %mul3A_488 = arith.muli %add3A_486, %mul3A_487 : i32
      %multiple_of3A_489 = tpu.assume_multiple %mul3A_488, 8 : i32
      %dma_start3A_490 = tpu.memref_slice %arg6[%multiple_of3A_489] : memref<5040xi32, #tpu.memory_space<vmem>> -> memref<80xi32, #tpu.memory_space<vmem>>
      %dma_start3A_491 = arith.constant 0 : i32
      %dma_start3A_492 = arith.constant 0 : i32
      %dma_start3A_493 = tpu.memref_slice %arg3[%dma_start3A_491, %dma_start3A_492] : memref<10000x128xf32, #tpu.memory_space<hbm>> -> memref<10000x128xf32, #tpu.memory_space<hbm>>
      tpu.enqueue_indirect_dma source(%dma_start3A_493 : memref<10000x128xf32, #tpu.memory_space<hbm>>) target(%arg9 : memref<80x128xf32, #tpu.memory_space<vmem>>) offsets(%dma_start3A_490 : memref<80xi32, #tpu.memory_space<vmem>>) semaphore(%arg13 : memref<!tpu.dma_semaphore, #tpu.memory_space<semaphore_mem>>)
    }
    %scan3A_337 = arith.constant 19 : i32
    %multiple_of3A_338 = arith.constant 4800 : i32
    %multiple_of3A_339 = tpu.assume_multiple %multiple_of3A_338, 8 : i32
    %dma_wait3A_340 = tpu.memref_slice %arg6[%multiple_of3A_339] : memref<5040xi32, #tpu.memory_space<vmem>> -> memref<80xi32, #tpu.memory_space<vmem>>
    %dma_wait3A_341 = arith.constant 0 : i32
    %dma_wait3A_342 = arith.constant 0 : i32
    %dma_wait3A_343 = tpu.memref_slice %arg3[%dma_wait3A_341, %dma_wait3A_342] : memref<10000x128xf32, #tpu.memory_space<hbm>> -> memref<10000x128xf32, #tpu.memory_space<hbm>>
    tpu.wait_indirect_dma semaphore(%arg12 : memref<!tpu.dma_semaphore, #tpu.memory_space<semaphore_mem>>) src(%dma_wait3A_343 : memref<10000x128xf32, #tpu.memory_space<hbm>>) dst(%arg8 : memref<80x128xf32, #tpu.memory_space<vmem>>)
    %multiple_of3A_344 = arith.constant 4800 : i32
    %multiple_of3A_345 = tpu.assume_multiple %multiple_of3A_344, 8 : i32
    %dma_start3A_346 = tpu.memref_slice %arg7[%multiple_of3A_345] : memref<5040xi32, #tpu.memory_space<vmem>> -> memref<80xi32, #tpu.memory_space<vmem>>
    %dma_start3A_347 = arith.constant 0 : i32
    %dma_start3A_348 = arith.constant 0 : i32
    %dma_start3A_349 = tpu.memref_slice %arg11[%dma_start3A_347, %dma_start3A_348] : memref<10240x128xf32, #tpu.memory_space<vmem_shared>> -> memref<10240x128xf32, #tpu.memory_space<vmem_shared>>
    tpu.enqueue_indirect_dma source(%arg8 : memref<80x128xf32, #tpu.memory_space<vmem>>) target(%dma_start3A_349 : memref<10240x128xf32, #tpu.memory_space<vmem_shared>>) offsets(%dma_start3A_346 : memref<80xi32, #tpu.memory_space<vmem>>) semaphore(%arg15 : memref<!tpu.dma_semaphore, #tpu.memory_space<semaphore_mem>>) {add = true}
    %multiple_of3A_350 = arith.constant 4880 : i32
    %multiple_of3A_351 = tpu.assume_multiple %multiple_of3A_350, 8 : i32
    %dma_wait3A_352 = tpu.memref_slice %arg6[%multiple_of3A_351] : memref<5040xi32, #tpu.memory_space<vmem>> -> memref<80xi32, #tpu.memory_space<vmem>>
    %dma_wait3A_353 = arith.constant 0 : i32
    %dma_wait3A_354 = arith.constant 0 : i32
    %dma_wait3A_355 = tpu.memref_slice %arg3[%dma_wait3A_353, %dma_wait3A_354] : memref<10000x128xf32, #tpu.memory_space<hbm>> -> memref<10000x128xf32, #tpu.memory_space<hbm>>
    tpu.wait_indirect_dma semaphore(%arg13 : memref<!tpu.dma_semaphore, #tpu.memory_space<semaphore_mem>>) src(%dma_wait3A_355 : memref<10000x128xf32, #tpu.memory_space<hbm>>) dst(%arg9 : memref<80x128xf32, #tpu.memory_space<vmem>>)
    %multiple_of3A_356 = arith.constant 4880 : i32
    %multiple_of3A_357 = tpu.assume_multiple %multiple_of3A_356, 8 : i32
    %dma_start3A_358 = tpu.memref_slice %arg7[%multiple_of3A_357] : memref<5040xi32, #tpu.memory_space<vmem>> -> memref<80xi32, #tpu.memory_space<vmem>>
    %dma_start3A_359 = arith.constant 0 : i32
    %dma_start3A_360 = arith.constant 0 : i32
    %dma_start3A_361 = tpu.memref_slice %arg11[%dma_start3A_359, %dma_start3A_360] : memref<10240x128xf32, #tpu.memory_space<vmem_shared>> -> memref<10240x128xf32, #tpu.memory_space<vmem_shared>>
    tpu.enqueue_indirect_dma source(%arg9 : memref<80x128xf32, #tpu.memory_space<vmem>>) target(%dma_start3A_361 : memref<10240x128xf32, #tpu.memory_space<vmem_shared>>) offsets(%dma_start3A_358 : memref<80xi32, #tpu.memory_space<vmem>>) semaphore(%arg16 : memref<!tpu.dma_semaphore, #tpu.memory_space<semaphore_mem>>) {add = true}
    %multiple_of3A_362 = arith.constant 4720 : i32
    %multiple_of3A_363 = tpu.assume_multiple %multiple_of3A_362, 8 : i32
    %dma_wait3A_364 = tpu.memref_slice %arg7[%multiple_of3A_363] : memref<5040xi32, #tpu.memory_space<vmem>> -> memref<80xi32, #tpu.memory_space<vmem>>
    %dma_wait3A_365 = arith.constant 0 : i32
    %dma_wait3A_366 = arith.constant 0 : i32
    %dma_wait3A_367 = tpu.memref_slice %arg11[%dma_wait3A_365, %dma_wait3A_366] : memref<10240x128xf32, #tpu.memory_space<vmem_shared>> -> memref<10240x128xf32, #tpu.memory_space<vmem_shared>>
    tpu.wait_indirect_dma semaphore(%arg17 : memref<!tpu.dma_semaphore, #tpu.memory_space<semaphore_mem>>) src(%arg10 : memref<80x128xf32, #tpu.memory_space<vmem>>) dst(%dma_wait3A_367 : memref<10240x128xf32, #tpu.memory_space<vmem_shared>>)
    %multiple_of3A_368 = arith.constant 4800 : i32
    %multiple_of3A_369 = tpu.assume_multiple %multiple_of3A_368, 8 : i32
    %dma_wait3A_370 = tpu.memref_slice %arg7[%multiple_of3A_369] : memref<5040xi32, #tpu.memory_space<vmem>> -> memref<80xi32, #tpu.memory_space<vmem>>
    %dma_wait3A_371 = arith.constant 0 : i32
    %dma_wait3A_372 = arith.constant 0 : i32
    %dma_wait3A_373 = tpu.memref_slice %arg11[%dma_wait3A_371, %dma_wait3A_372] : memref<10240x128xf32, #tpu.memory_space<vmem_shared>> -> memref<10240x128xf32, #tpu.memory_space<vmem_shared>>
    tpu.wait_indirect_dma semaphore(%arg15 : memref<!tpu.dma_semaphore, #tpu.memory_space<semaphore_mem>>) src(%arg8 : memref<80x128xf32, #tpu.memory_space<vmem>>) dst(%dma_wait3A_373 : memref<10240x128xf32, #tpu.memory_space<vmem_shared>>)
    %multiple_of3A_374 = arith.constant 4880 : i32
    %multiple_of3A_375 = tpu.assume_multiple %multiple_of3A_374, 8 : i32
    %dma_wait3A_376 = tpu.memref_slice %arg7[%multiple_of3A_375] : memref<5040xi32, #tpu.memory_space<vmem>> -> memref<80xi32, #tpu.memory_space<vmem>>
    %dma_wait3A_377 = arith.constant 0 : i32
    %dma_wait3A_378 = arith.constant 0 : i32
    %dma_wait3A_379 = tpu.memref_slice %arg11[%dma_wait3A_377, %dma_wait3A_378] : memref<10240x128xf32, #tpu.memory_space<vmem_shared>> -> memref<10240x128xf32, #tpu.memory_space<vmem_shared>>
    tpu.wait_indirect_dma semaphore(%arg16 : memref<!tpu.dma_semaphore, #tpu.memory_space<semaphore_mem>>) src(%arg9 : memref<80x128xf32, #tpu.memory_space<vmem>>) dst(%dma_wait3A_379 : memref<10240x128xf32, #tpu.memory_space<vmem_shared>>)
    %barrier3A_380 = arith.constant 0 : index
    tpu.barrier barrier_id(%barrier3A_380)
    %eq3A = arith.constant 0 : i32
    %eq3A_381 = arith.cmpi eq, %arg0, %eq3A : i32
    %convert_element_type3A = arith.extui %eq3A_381 : i1 to i32
    %cond3A = arith.constant 0 : i32
    %cond3A_382 = arith.cmpi ne, %convert_element_type3A, %cond3A : i32
    scf.if %cond3A_382 {
      %mul3A_388 = arith.constant 640 : i32
      %mul3A_389 = arith.muli %arg1, %mul3A_388 : i32
      %mul3A_390 = arith.constant 640 : i32
      %mul3A_391 = arith.muli %arg1, %mul3A_390 : i32
      "tpu.region"() ({
        %run_scoped3A = tpu.sem_alloc : memref<!tpu.dma_semaphore, #tpu.memory_space<semaphore_mem>>
        %dma_start3A_392 = arith.constant 0 : i32
        %dma_start3A_393 = tpu.memref_slice %arg4[%mul3A_391, %dma_start3A_392] : memref<10240x128xf32, #tpu.memory_space<hbm>> -> memref<640x128xf32, #tpu.memory_space<hbm>>
        %dma_start3A_394 = arith.constant 0 : i32
        %dma_start3A_395 = tpu.memref_slice %arg11[%mul3A_389, %dma_start3A_394] : memref<10240x128xf32, #tpu.memory_space<vmem_shared>> -> memref<640x128xf32, #tpu.memory_space<vmem_shared>>
        tpu.enqueue_dma source(%dma_start3A_395 : memref<640x128xf32, #tpu.memory_space<vmem_shared>>) target(%dma_start3A_393 : memref<640x128xf32, #tpu.memory_space<hbm>>) target_semaphore(%run_scoped3A : memref<!tpu.dma_semaphore, #tpu.memory_space<semaphore_mem>>)
        %dma_wait3A_396 = arith.constant 0 : i32
        %dma_wait3A_397 = tpu.memref_slice %arg4[%mul3A_391, %dma_wait3A_396] : memref<10240x128xf32, #tpu.memory_space<hbm>> -> memref<640x128xf32, #tpu.memory_space<hbm>>
        %dma_wait3A_398 = arith.constant 0 : i32
        %dma_wait3A_399 = tpu.memref_slice %arg11[%mul3A_389, %dma_wait3A_398] : memref<10240x128xf32, #tpu.memory_space<vmem_shared>> -> memref<640x128xf32, #tpu.memory_space<vmem_shared>>
        tpu.wait_dma2 semaphore(%run_scoped3A : memref<!tpu.dma_semaphore, #tpu.memory_space<semaphore_mem>>) src(%dma_wait3A_399 : memref<640x128xf32, #tpu.memory_space<vmem_shared>>) dst(%dma_wait3A_397 : memref<640x128xf32, #tpu.memory_space<hbm>>)
        tpu.yield
      }) : () -> ()
    } else {
    }
    %eq3A_383 = arith.constant 1 : i32
    %eq3A_384 = arith.cmpi eq, %arg0, %eq3A_383 : i32
    %convert_element_type3A_385 = arith.extui %eq3A_384 : i1 to i32
    %cond3A_386 = arith.constant 0 : i32
    %cond3A_387 = arith.cmpi ne, %convert_element_type3A_385, %cond3A_386 : i32
    scf.if %cond3A_387 {
      %mul3A_388 = arith.constant 640 : i32
      %mul3A_389 = arith.muli %arg1, %mul3A_388 : i32
      %mul3A_390 = arith.constant 640 : i32
      %mul3A_391 = arith.muli %arg1, %mul3A_390 : i32
      "tpu.region"() ({
        %run_scoped3A = tpu.sem_alloc : memref<!tpu.dma_semaphore, #tpu.memory_space<semaphore_mem>>
        %dma_start3A_392 = arith.constant 0 : i32
        %dma_start3A_393 = tpu.memref_slice %arg5[%mul3A_391, %dma_start3A_392] : memref<10240x128xf32, #tpu.memory_space<hbm>> -> memref<640x128xf32, #tpu.memory_space<hbm>>
        %dma_start3A_394 = arith.constant 0 : i32
        %dma_start3A_395 = tpu.memref_slice %arg11[%mul3A_389, %dma_start3A_394] : memref<10240x128xf32, #tpu.memory_space<vmem_shared>> -> memref<640x128xf32, #tpu.memory_space<vmem_shared>>
        tpu.enqueue_dma source(%dma_start3A_395 : memref<640x128xf32, #tpu.memory_space<vmem_shared>>) target(%dma_start3A_393 : memref<640x128xf32, #tpu.memory_space<hbm>>) target_semaphore(%run_scoped3A : memref<!tpu.dma_semaphore, #tpu.memory_space<semaphore_mem>>)
        %dma_wait3A_396 = arith.constant 0 : i32
        %dma_wait3A_397 = tpu.memref_slice %arg5[%mul3A_391, %dma_wait3A_396] : memref<10240x128xf32, #tpu.memory_space<hbm>> -> memref<640x128xf32, #tpu.memory_space<hbm>>
        %dma_wait3A_398 = arith.constant 0 : i32
        %dma_wait3A_399 = tpu.memref_slice %arg11[%mul3A_389, %dma_wait3A_398] : memref<10240x128xf32, #tpu.memory_space<vmem_shared>> -> memref<640x128xf32, #tpu.memory_space<vmem_shared>>
        tpu.wait_dma2 semaphore(%run_scoped3A : memref<!tpu.dma_semaphore, #tpu.memory_space<semaphore_mem>>) src(%dma_wait3A_399 : memref<640x128xf32, #tpu.memory_space<vmem_shared>>) dst(%dma_wait3A_397 : memref<640x128xf32, #tpu.memory_space<hbm>>)
        tpu.yield
      }) : () -> ()
    } else {
    }
    return
  }
}

module attributes {stable_mosaic.version = 14 : i64} {
  func.func @_mm_body(%arg0: i32, %arg1: memref<5000x128xf32, #tpu.memory_space<vmem>>, %arg2: memref<5000x128xf32, #tpu.memory_space<vmem>>, %arg3: memref<128x128xf32, #tpu.memory_space<vmem>>, %arg4: memref<1x128xf32, #tpu.memory_space<vmem>>, %arg5: memref<5000x128xf32, #tpu.memory_space<vmem>>) attributes {dimension_semantics = [#tpu.dimension_semantics<arbitrary>], iteration_bounds = array<i64: 2>, scalar_prefetch = 0 : i64, scratch_operands = 0 : i64, tpu.core_type = #tpu.core_type<tc>, window_params = [{transform_indices = @transform_0, window_bounds = array<i64: 5000, 128>}, {transform_indices = @transform_1, window_bounds = array<i64: 5000, 128>}, {pipeline_mode = #tpu.pipeline_mode<synchronous>, transform_indices = @transform_2, window_bounds = array<i64: 128, 128>}, {pipeline_mode = #tpu.pipeline_mode<synchronous>, transform_indices = @transform_3, window_bounds = array<i64: 1, 128>}, {transform_indices = @transform_4, window_bounds = array<i64: 5000, 128>}]} {
    %get3A = arith.constant 0 : index
    %get3A_0 = arith.constant 0 : index
    %get3A_1 = vector.load %arg1[%get3A, %get3A_0] : memref<5000x128xf32, #tpu.memory_space<vmem>>, vector<5000x128xf32>
    %get3A_2 = arith.constant 0 : index
    %get3A_3 = arith.constant 0 : index
    %get3A_4 = vector.load %arg2[%get3A_2, %get3A_3] : memref<5000x128xf32, #tpu.memory_space<vmem>>, vector<5000x128xf32>
    %add3A = arith.addf %get3A_1, %get3A_4 : vector<5000x128xf32>
    %get3A_5 = arith.constant 0 : index
    %get3A_6 = arith.constant 0 : index
    %get3A_7 = vector.load %arg3[%get3A_5, %get3A_6] : memref<128x128xf32, #tpu.memory_space<vmem>>, vector<128x128xf32>
    %dot_general3A = arith.constant dense<0.000000e+00> : vector<5000x128xf32>
    %dot_general3A_8 = tpu.matmul %add3A, %get3A_7, %dot_general3A {dimension_numbers = #tpu.dot_dimension_numbers<[1], [0], [0], [1], [0, 0, 1, 1], [], []>, transpose_lhs_hint = false} : vector<5000x128xf32>, vector<128x128xf32>, vector<5000x128xf32> -> vector<5000x128xf32>
    %get3A_9 = arith.constant 0 : index
    %get3A_10 = arith.constant 0 : index
    %get3A_11 = vector.load %arg4[%get3A_9, %get3A_10] : memref<1x128xf32, #tpu.memory_space<vmem>>, vector<1x128xf32>
    %add3A_12 = vector.broadcast %get3A_11 : vector<1x128xf32> to vector<5000x128xf32>
    %add3A_13 = arith.addf %dot_general3A_8, %add3A_12 : vector<5000x128xf32>
    %swap3A = arith.constant 0 : index
    %swap3A_14 = arith.constant 0 : index
    %swap3A_15 = vector.load %arg5[%swap3A, %swap3A_14] : memref<5000x128xf32, #tpu.memory_space<vmem>>, vector<5000x128xf32>
    tpu.vector_store %arg5[%swap3A, %swap3A_14], %add3A_13 {strides = array<i32>} : memref<5000x128xf32, #tpu.memory_space<vmem>>, vector<5000x128xf32>,
    return
  }
  func.func @transform_0(%arg0: i32) -> (i32, i32) {
    %c0_i32 = arith.constant 0 : i32
    %c0_i32_0 = arith.constant 0 : i32
    return %arg0, %c0_i32 : i32, i32
  }
  func.func @transform_1(%arg0: i32) -> (i32, i32) {
    %c0_i32 = arith.constant 0 : i32
    %c0_i32_0 = arith.constant 0 : i32
    return %arg0, %c0_i32 : i32, i32
  }
  func.func @transform_2(%arg0: i32) -> (i32, i32) {
    %c0_i32 = arith.constant 0 : i32
    %c0_i32_0 = arith.constant 0 : i32
    %c0_i32_1 = arith.constant 0 : i32
    return %c0_i32, %c0_i32_0 : i32, i32
  }
  func.func @transform_3(%arg0: i32) -> (i32, i32) {
    %c0_i32 = arith.constant 0 : i32
    %c0_i32_0 = arith.constant 0 : i32
    %c0_i32_1 = arith.constant 0 : i32
    return %c0_i32, %c0_i32_0 : i32, i32
  }
  func.func @transform_4(%arg0: i32) -> (i32, i32) {
    %c0_i32 = arith.constant 0 : i32
    %c0_i32_0 = arith.constant 0 : i32
    return %arg0, %c0_i32 : i32, i32
  }
}

</mosaic_0001>

<sc_bundles>
// kernel: kernel.4.cloned.1.call-start
scs
__scs_entry_jumppad:
0x0: {  	(pc) =	sbr.rel $0x88, $3  }
0x1: {  	(tag) =	ssettag $0x0;
	lr =	simm.s32 $0x1  }
0x2: {  	[smem:$0x3F9D] =	sst lr;
	_ =	strace $0xD0000000  }
0x3: {  	_ = 	snop  }
0x4: {  	_ = 	snop  }
0x5: {  	_ = 	snop  }
0x6: {  	_ = 	snop  }
0x7: {  	_ = 	snop  }
__scs_overlays_trampoline_lowered:
0x8: {  	[smem:$0x3FAC] =	sst s0  }
0x9: {  	[smem:$0x3FAD] =	sst s1  }
0xa: {  	[smem:$0x3FAE] =	sst s2  }
0xb: {  	[smem:$0x3FAF] =	sst s3  }
0xc: {  	[smem:$0x3FB0] =	sst s4  }
0xd: {  	[smem:$0x3FB1] =	sst s5  }
0xe: {  	[smem:$0x3FB2] =	sst s6  }
0xf: {  	[smem:$0x3FB3] =	sst s7  }
0x10: {  	[smem:$0x3FB4] =	sst s8  }
0x11: {  	[smem:$0x3FB5] =	sst s9;
	s0 =	simm.s32 @!p0 $0x0  }
0x12: {  	s1 =	sld [smem:$0x3F9B];
	s0 =	simm.s32 @p0 $0x1  }
0x13: {  	[smem:$0x3FB6] =	sst s0;
	s0 =	simm.s32 @!p1 $0x0  }
0x14: {  	s2 =	sld [smem:$0x3F9A];
	s0 =	simm.s32 @p1 $0x1  }
0x15: {  	[smem:$0x3FB7] =	sst s0;
	s0 =	simm.s32 @!p2 $0x0  }
0x16: {  	s3 =	sld [smem:$0x3FDB];
	s0 =	simm.s32 @p2 $0x1  }
0x17: {  	s4 =	simm.s32 $0x1BF5;
	[smem:$0x3FB9] =	sst s0  }
0x18: {  	s0 =	sld [smem:$0x3F9C];
	_ =	swait.ge [sflag:s4], $0x0  }
0x19: {  	s7 =	sld [smem:$0x3F9D]  }
0x1a: {  	s8 =	sadd.s32 $0xFFFFE003, lr  }
0x1b: {  	s9 =	sadd.s32 $0xFFFFFEF7, lr;
	s5 =	simm.s32 $0xFFFFFFFF;
	p2 =	slt.u32 s8, $0xFFFFF086  }
0x1c: {  	p1 =	slt.u32 s9, $0xF7A;
	s5 =	simm.s32 @!p2 $0x0  }
0x1d: {  	s5 =	simm.s32 @p1 $0x1;
	p0 =	seq.s32 s7, s2  }
0x1e: {  	s7 =	smul.u32 @!p0 $0xF7A, s2;
	p2 =	seq.s32 @!p0 s5, $0x0  }
0x1f: {  	s9 =	smul.u32 $0xF7A, s1;
	s8 =	simm.s32 @!p0 $0x1BF5;
	p2 =	por !p2, p0  }
0x20: {  	[sflag:s8] =	ssyncset.s32 @!p0 $0xFFFFF086;
	s6 =	sadd.s32 @!p0 s3, s7;
	s7 =	simm.s32 @!p0 $0x108  }
0x21: {  	s3 =	sadd.s32 s3, s9;
	s6 =	sadd.s32 @!p0 $0x88, s6;
	s7 =	simm.s32 @p2 $0x1082  }
0x22: {  	[simem:s7], [sflag:s8] =	dma.local @!p0 [hbm:s6], $0xF7A  }
0x23: {  	s9 =	sor.u32 $0xD0000000, s2;
	s6 =	simm.s32 $0x108;
	_ =	swait.ge @!p0 [sflag:s8], $0x0  }
0x24: {  	s3 =	sadd.s32 $0x88, s3;
	s6 =	simm.s32 @!p1 $0x1082;
	[sflag:s4] =	ssyncset.s32 $0xFFFFF086  }
0x25: {  	[simem:s6], [sflag:s4] =	dma.local [hbm:s3], $0xF7A  }
0x26: {  	[smem:$0x3F9D] =	sst s1;
	(tag) =	ssettag s2;
	_ =	strace s9  }
0x27: {  	s1 =	sld [smem:$0x3FAD]  }
0x28: {  	s2 =	sld [smem:$0x3FAE]  }
0x29: {  	s4 =	sld [smem:$0x3FB0]  }
0x2a: {  	p0 =	seq.s32 s5, $0x0;
	s5 =	sld [smem:$0x3FB1]  }
0x2b: {  	s6 =	sld [smem:$0x3FB2]  }
0x2c: {  	s7 =	sld [smem:$0x3FB3]  }
0x2d: {  	s3 =	simm.s32 $0x108;
	s8 =	sld [smem:$0x3FB4]  }
0x2e: {  	s3 =	simm.s32 @!p0 $0x1082;
	s9 =	sld [smem:$0x3FB5]  }
0x2f: {  	lr =	sadd.s32 s0, s3;
	s0 =	sld [smem:$0x3FAC]  }
0x30: {  	s3 =	sld [smem:$0x3FAF]  }
0x31: {  	[smem:$0x3FB8] =	sst s10  }
0x32: {  	s10 =	sld [smem:$0x3FB6];
	_ =	sdelay $0x3  }
0x33: {  	p0 =	seq.s32 s10, $0x1;
	s10 =	sld [smem:$0x3FB8];
	_ =	sdelay $0x3  }
0x34: {  	[smem:$0x3FB8] =	sst s10  }
0x35: {  	s10 =	sld [smem:$0x3FB7];
	_ =	sdelay $0x3  }
0x36: {  	p1 =	seq.s32 s10, $0x1;
	s10 =	sld [smem:$0x3FB8];
	_ =	sdelay $0x3  }
0x37: {  	[smem:$0x3FB8] =	sst s10  }
0x38: {  	s10 =	sld [smem:$0x3FB9]  }
0x39: {  	_ = 	snop;
	(pc) =	sbr.ind lr, $3  }
0x3a: {  	_ = 	snop  }
0x3b: {  	_ = 	snop  }
0x3c: {  	p2 =	seq.s32 s10, $0x1;
	s10 =	sld [smem:$0x3FB8]  }
0x3d: {  	_ =	shalt  }
0x3e: {  	_ =	shalt  }
0x3f: {  	_ =	shalt  }
0x40: {  	_ =	shalt  }
0x41: {  	_ =	shalt  }
0x42: {  	_ =	shalt  }
0x43: {  	_ =	shalt  }
0x44: {  	_ =	shalt  }
0x45: {  	_ =	shalt  }
0x46: {  	_ =	shalt  }
0x47: {  	_ =	shalt  }
0x48: {  	_ =	shalt  }
0x49: {  	_ =	shalt  }
0x4a: {  	_ =	shalt  }
0x4b: {  	_ =	shalt  }
0x4c: {  	_ =	shalt  }
0x4d: {  	_ =	shalt  }
0x4e: {  	_ =	shalt  }
0x4f: {  	_ =	shalt  }
0x50: {  	_ =	shalt  }
0x51: {  	_ =	shalt  }
0x52: {  	_ =	shalt  }
0x53: {  	_ =	shalt  }
0x54: {  	_ =	shalt  }
0x55: {  	_ =	shalt  }
0x56: {  	_ =	shalt  }
0x57: {  	_ =	shalt  }
0x58: {  	_ =	shalt  }
0x59: {  	_ =	shalt  }
0x5a: {  	_ =	shalt  }
0x5b: {  	_ =	shalt  }
0x5c: {  	_ =	shalt  }
0x5d: {  	_ =	shalt  }
0x5e: {  	_ =	shalt  }
0x5f: {  	_ =	shalt  }
0x60: {  	_ =	shalt  }
0x61: {  	_ =	shalt  }
0x62: {  	_ =	shalt  }
0x63: {  	_ =	shalt  }
0x64: {  	_ =	shalt  }
0x65: {  	_ =	shalt  }
0x66: {  	_ =	shalt  }
0x67: {  	_ =	shalt  }
0x68: {  	_ =	shalt  }
0x69: {  	_ =	shalt  }
0x6a: {  	_ =	shalt  }
0x6b: {  	_ =	shalt  }
0x6c: {  	_ =	shalt  }
0x6d: {  	_ =	shalt  }
0x6e: {  	_ =	shalt  }
0x6f: {  	_ =	shalt  }
0x70: {  	_ =	shalt  }
0x71: {  	_ =	shalt  }
0x72: {  	_ =	shalt  }
0x73: {  	_ =	shalt  }
0x74: {  	_ =	shalt  }
0x75: {  	_ =	shalt  }
0x76: {  	_ =	shalt  }
0x77: {  	_ =	shalt  }
0x78: {  	_ =	shalt  }
0x79: {  	_ =	shalt  }
0x7a: {  	_ =	shalt  }
0x7b: {  	_ =	shalt  }
0x7c: {  	_ =	shalt  }
0x7d: {  	_ =	shalt  }
0x7e: {  	_ =	shalt  }
0x7f: {  	_ =	shalt  }
0x80: {  	_ =	shalt  }
0x81: {  	_ =	shalt  }
0x82: {  	_ =	shalt  }
0x83: {  	_ =	shalt  }
0x84: {  	_ =	shalt  }
0x85: {  	_ =	shalt  }
0x86: {  	_ =	shalt  }
0x87: {  	_ =	shalt  }
.Lfunc_end0:
.L_simem_size_0:
called_computation_lowered:
.L_overlay_start_0:
0x88: {  	s2 =	sld [smem:$0x3FD9]  }
0x89: {  	s3 =	sld [smem:$0x3FFE];
	_ =	sdelay $0x1  }
0x8a: {  	s1 =	srdreg.scid  }
0x8b: {  	s0 =	sand.u32 $0x1, s1  }
0x8c: {  	s17 =	sshll.u32 s0, $0xA;
	s2 =	sadd.s32 s3, s2  }
0x8d: {  	s2 =	sadd.s32 s2, s17  }
0x8e: {  	[smem:$0x3FC4] =	sst s2  }
0x8f: {  	_ = 	snop  }
0x90: {  	s2 =	sld [smem:$0x3FC9]  }
0x91: {  	s18 =	sld [smem:$0x3FD0];
	(tm) =	ssettm $0x1  }
0x92: {  	s4 =	sld [smem:$0x3FFB];
	_ =	sdelay $0x3  }
0x93: {  	_ =	strace s4  }
0x94: {  	s4 =	sld [smem:$0x3FFC];
	_ =	sdelay $0x3  }
0x95: {  	_ =	strace s4  }
0x96: {  	s4 =	sld [smem:$0x3FFD];
	_ =	sdelay $0x3  }
0x97: {  	_ =	strace s4  }
0x98: {  	_ =	strace $0x8FFFFFFF  }
0x99: {  	s19 =	sld [smem:$0x3FDB];
	_ =	sdelay $0x1  }
0x9a: {  	s5 =	simm.s32 $_scs_section_size  }
0x9b: {  	s6 =	simm.s32 $_size__tile_overlayer_lowered;
	s7 =	simm.s32 $_tile_overlayer_lowered  }
0x9c: {  	s22 =	simm.s32 $0x1BFF;
	s21 =	sshll.u32 s7, $0x1;
	s4 =	sadd.s32 s5, s19  }
0x9d: {  	s8 =	simm.s32 $0x0;
	s20 =	sshll.u32 s6, $0x1;
	s6 =	sadd.s32 s21, s4  }
0x9e: {  	[timem:s8], [sflag:s22] =	dma.local [hbm:s6], s20  }
0x9f: {  	_ =	swait.ge [sflag:s22], s20  }
0xa0: {  	s5 =	ssub.s32 $0x0, s20;
	[sflag:s22] =	ssyncset.done $0x0  }
0xa1: {  	[sflag:s22] =	ssyncadd.s32 s5;
	_ =	sdelay $0x1  }
0xa2: {  	s23 =	simm.s32 $0x1B8B  }
0xa3: {  	_ =	swait.ge [sflag:s23], $0x1  }
0xa4: {  	[sflag:s23] =	ssyncset.done $0x0  }
0xa5: {  	s25 =	simm.s32 $0x1B8E;
	s24 =	sld [smem:$0x3FFE];
	[sflag:s23] =	ssyncadd.s32 $0xFFFFFFFF  }
0xa6: {  	s26 =	simm.s32 $execute0_lowered;
	[smem:$0x3FD2] =	sst s25  }
0xa7: {  	s6 =	sshll.u32 s26, $0x1;
	_ =	strace $0x80000046;
	[dreg:$0x1] =	wrdreg $0xFFFFFFFF  }
0xa8: {  	s28 =	simm.s32 $_size_execute0_lowered;
	s4 =	sadd.s32 s4, s6;
	[dreg:$0x0] =	wrdreg $0x0  }
0xa9: {  	s6 =	sshll.u32 s28, $0x1;
	[dreg:$0x2] =	wrdreg s4  }
0xaa: {  	[dreg:$0x3] =	wrdreg s6  }
0xab: {  	[dreg:$0x4] =	wrdreg $0xC0  }
0xac: {  	_ =	task [dreg:s8], $0x5FFFF  }
0xad: {  	[dreg:$0x1] =	wrdreg $0xFFFFFFFF  }
0xae: {  	[dreg:$0x0] =	wrdreg $0x60  }
0xaf: {  	[dreg:$0x2] =	wrdreg s18  }
0xb0: {  	[dreg:$0x3] =	wrdreg s2  }
0xb1: {  	[dreg:$0x4] =	wrdreg s24  }
0xb2: {  	[dreg:$0x5] =	wrdreg $0xA0000  }
0xb3: {  	[dreg:$0x6] =	wrdreg $0x9  }
0xb4: {  	_ =	task.clear_ibuf [dreg:s8], $0x7FFFF;
	_ =	strace $0x90000046  }
0xb5: {  	s29 =	simm.s32 $0x9;
	_ =	strace $0x80000048  }
0xb6: {  	_ =	swait.ge [sflag:s29], $0x1  }
0xb7: {  	[sflag:s29] =	ssyncadd.s32 $0xFFFFFFFF  }
0xb8: {  	_ =	strace $0x90000048  }
0xb9: {  	_ =	sfence  }
0xba: {  	s30 =	sld [smem:$0x0];
	_ =	sdelay $0x2  }
0xbb: {  	s31 =	sshll.u32 s1, $0xD;
	s1 =	sshrl.u32 s1, $0x2  }
0xbc: {  	s3 =	sand.u32 $0x4000, s31;
	s1 =	sadd.s32 s1, s30  }
0xbd: {  	s0 =	sor.u32 s3, s0;
	s1 =	sshll.u32 s1, $0x11  }
0xbe: {  	s0 =	sor.u32 s1, s0  }
0xbf: {  	s0 =	sadd.s32 $0x8F2B, s0  }
0xc0: {  	[sflag:s0] =	ssyncadd.remote.s32 $0x1  }
0xc1: {  	_ =	sfence.sel $0xFFFF  }
0xc2: {  	[dreg:$0x0] =	wrdreg $0xFFFFFFFF;
	(pc) =	sbr.abs _section_cstart, $3  }
0xc3: {  	[dreg:$0x1] =	wrdreg $0xFFFFFFFF  }
0xc4: {  	_ =	task.clear_ibuf [dreg:s8], $0x2FFFF;
	_ =	strace $0x9FFFFFFF  }
0xc5: {  	(tm) =	ssettm $0x7FFFFFFF  }
tec
execute0_lowered:
.L_overlay_start_1:
0x0: {  	(tag) =	ssettag $0x1  }
0x1: {  	s0 =	rddreg [dreg:$0x0]  }
0x2: {  	s1 =	rddreg [dreg:$0x1]  }
0x3: {  	s2 =	srdreg.scid;
	s7 =	rddreg [dreg:$0x2]  }
0x4: {  	s10 =	stileid.u32;
	s3 =	rddreg [dreg:$0x3];
	s28 =	simm.s32 $0xA0  }
0x5: {  	s29 =	simm.s32 $0x2;
	s30 =	simm.s32 $0x1450;
	s31 =	simm.s32 $0x4  }
0x6: {  	s11 =	simm.s32 $0x2710;
	s2 =	sand.u32 $0x1, s2;
	s6 =	smul.u32 $0x50000, s10  }
0x7: {  	s12 =	simm.s32 $0x0;
	s25 =	smul.u32 $0x2800, s10;
	s4 =	sshll.u32 s2, $0x4  }
0x8: {  	s8 =	ssub.s32 $0x2, s2;
	p0 =	seq.s32 s2, $0x1;
	s2 =	simm.s32 $0xF0  }
0x9: {  	s5 =	sor.u32 s10, s4;
	s4 =	simm.s32 $0x0;
	s6 =	sshrl.u32 s6, $0x2  }
0xa: {  	s9 =	sshrl.u32 s8, $0x1;
	s10 =	simm.s32 $0x26C0;
	s6 =	sadd.s32 s6, s3  }
0xb: {  	s5 =	smul.u32 $0x2710, s5;
	[smem:$0x7FF] =	sst s4;
	s18 =	sadd.s32 $0x2800, s6  }
0xc: {  	_ =	strace $0x80000047;
	s19 =	sadd.s32 $0x5000, s6;
	[dreg:$0x6] =	wrdreg s18  }
0xd: {  	s8 =	ssub.s32 s8, s9;
	s20 =	sadd.s32 $0x7800, s6;
	[dreg:$0x7] =	wrdreg s19  }
0xe: {  	s9 =	simm.s32 $0x140;
	s21 =	sadd.s32 $0xA000, s6;
	[dreg:$0x8] =	wrdreg s20  }
0xf: {  	s22 =	sadd.s32 $0xC800, s6;
	s23 =	sadd.s32 $0xF000, s6;
	[dreg:$0x9] =	wrdreg s21  }
0x10: {  	s24 =	sadd.s32 $0x11800, s6;
	s17 =	smax.u32 s8, $0x1;
	[dreg:$0xa] =	wrdreg s22  }
0x11: {  	s8 =	simm.s32 $0x5;
	s5 =	sshrl.u32 s5, $0x3;
	[dreg:$0xb] =	wrdreg s23  }
0x12: {  	[dreg:$0xc] =	wrdreg s24;
	s19 =	simm.s32 $0x1400;
	s20 =	simm.s32 $0x1  }
0x13: {  	s21 =	simm.s32 $0x50;
	s22 =	simm.s32 $0x2800;
	s5 =	sadd.s32 s0, s5  }
0x14: {  	s23 =	simm.s32 $0x5000;
	s24 =	simm.s32 $0x7800;
	s0 =	sadd.s32 $0x9C40, s5  }
0x15: {  	s26 =	sadd.s32 $0x276, s5;
	[dreg:$0x5] =	wrdreg s0;
	s0 =	simm.s32 $0x29000  }
0x16: {  	s16 =	sadd.s32 $0x9EB6, s5;
	[dreg:$0xd] =	wrdreg s26;
	s0 =	simm.s32 @!p0 $0x1000  }
0x17: {  	s26 =	simm.s32 $0x6;
	s0 =	sadd.s32 s0, s7;
	s7 =	simm.s32 $0x14A0  }
0x18: {  	v0 =	vimm.f32 $0.0e+00;
	s18 =	sadd.s32 s0, s25;
	s25 =	simm.s32 $0x7;
	s0 =	simm.s32 $0x3  }
.LBB2_1:
0x19: {  	[tilespmem:s4], [sflag:$0x1] =	stream.linear.gather [hbm4b:s5+s4], $0x13B0, $0x38;
	[tilespmem:$0x1E000] =	vst v63  }
0x1a: {  	s13 =	rddreg [dreg:$0x5]  }
0x1b: {  	[tilespmem:s19], [sflag:$0x6] =	stream.linear.gather [hbm4b:s13+s4], $0x13B0, $0x38;
	[tilespmem:$0x1E000] =	vst v63  }
0x1c: {  	_ =	swait.ge [sflag:s20], $0x13B0  }
0x1d: {  	[sflag:s20] =	ssyncset.done $0x0  }
0x1e: {  	[sflag:s20] =	ssyncadd.s32 $0xFFFFEC50  }
0x1f: {  	[tilespmem:s22], [sflag:$0x1] =	stream.indirect.gather [hbm4b:s1+s21], $0x80, s4, s21, $0xb8;
	[tilespmem:$0x1E000] =	vst v63  }
0x20: {  	s14 =	simm.s32 $0x200;
	s13 =	simm.s32 $0x0  }
0x21: {  	[tilespmem:s23], [sflag:$0x2] =	stream.indirect.gather [hbm4b:s1+s21], $0x80, s21, s21, $0xb8;
	[tilespmem:$0x1E000] =	vst v63  }
.LBB2_2:
0x22: {  	p0 =	sne.s32 s14, $0x9E00;
	[tilespmem:s13+$0x7870] =	vst v0  }
0x23: {  	[tilespmem:s13+$0x7800] =	vst v0  }
0x24: {  	[tilespmem:s13+$0x7810] =	vst v0  }
.Ltmp0:
0x25: {  	[tilespmem:s13+$0x7820] =	vst v0;
	(pc) =	sbr.rel @p0 .LBB2_2-.Ltmp0, $4  }
0x26: {  	[tilespmem:s13+$0x7830] =	vst v0  }
0x27: {  	[tilespmem:s13+$0x7840] =	vst v0  }
0x28: {  	[tilespmem:s13+$0x7850] =	vst v0  }
0x29: {  	[tilespmem:s13+$0x7860] =	vst v0;
	s13 =	sshra.s32 s14, $0x2;
	s14 =	sadd.s32 $0x200, s14  }
0x2a: {  	[tilespmem:s13+$0x7870] =	vst v0  }
0x2b: {  	[tilespmem:s13+$0x7800] =	vst v0  }
0x2c: {  	[tilespmem:s13+$0x7810] =	vst v0  }
0x2d: {  	[tilespmem:s13+$0x7820] =	vst v0  }
0x2e: {  	[tilespmem:s13+$0x7830] =	vst v0  }
0x2f: {  	[tilespmem:s13+$0x7840] =	vst v0  }
0x30: {  	[tilespmem:s13+$0x7850] =	vst v0  }
0x31: {  	[tilespmem:s13+$0x7860] =	vst v0  }
0x32: {  	[spmem:s6] =	stream.linear.scatter [tilespmem:s24], [sflag:$0x7], $0x2800, $0x38;
	[tilespmem:$0x1E000] =	vst v63  }
0x33: {  	_ =	swait.ge [sflag:s25], $0x2800  }
0x34: {  	[sflag:s25] =	ssyncset.done $0x0  }
0x35: {  	s14 =	rddreg [dreg:$0x6];
	[sflag:s25] =	ssyncadd.s32 $0xFFFFD800  }
0x36: {  	[spmem:s14] =	stream.linear.scatter [tilespmem:s24], [sflag:$0x7], $0x2800, $0x38;
	[tilespmem:$0x1E000] =	vst v63  }
0x37: {  	_ =	swait.ge [sflag:s25], $0x2800  }
0x38: {  	[sflag:s25] =	ssyncset.done $0x0  }
0x39: {  	s15 =	rddreg [dreg:$0x7];
	[sflag:s25] =	ssyncadd.s32 $0xFFFFD800  }
0x3a: {  	[spmem:s15] =	stream.linear.scatter [tilespmem:s24], [sflag:$0x7], $0x2800, $0x38;
	[tilespmem:$0x1E000] =	vst v63  }
0x3b: {  	_ =	swait.ge [sflag:s25], $0x2800  }
0x3c: {  	[sflag:s25] =	ssyncset.done $0x0  }
0x3d: {  	s14 =	rddreg [dreg:$0x8];
	[sflag:s25] =	ssyncadd.s32 $0xFFFFD800  }
0x3e: {  	[spmem:s14] =	stream.linear.scatter [tilespmem:s24], [sflag:$0x7], $0x2800, $0x38;
	[tilespmem:$0x1E000] =	vst v63  }
0x3f: {  	_ =	swait.ge [sflag:s25], $0x2800  }
0x40: {  	[sflag:s25] =	ssyncset.done $0x0  }
0x41: {  	s15 =	rddreg [dreg:$0x9];
	[sflag:s25] =	ssyncadd.s32 $0xFFFFD800  }
0x42: {  	[spmem:s15] =	stream.linear.scatter [tilespmem:s24], [sflag:$0x7], $0x2800, $0x38;
	[tilespmem:$0x1E000] =	vst v63  }
0x43: {  	_ =	swait.ge [sflag:s25], $0x2800  }
0x44: {  	[sflag:s25] =	ssyncset.done $0x0  }
0x45: {  	s14 =	rddreg [dreg:$0xa];
	[sflag:s25] =	ssyncadd.s32 $0xFFFFD800  }
0x46: {  	[spmem:s14] =	stream.linear.scatter [tilespmem:s24], [sflag:$0x7], $0x2800, $0x38;
	[tilespmem:$0x1E000] =	vst v63  }
0x47: {  	_ =	swait.ge [sflag:s25], $0x2800  }
0x48: {  	[sflag:s25] =	ssyncset.done $0x0  }
0x49: {  	s15 =	rddreg [dreg:$0xb];
	[sflag:s25] =	ssyncadd.s32 $0xFFFFD800  }
0x4a: {  	[spmem:s15] =	stream.linear.scatter [tilespmem:s24], [sflag:$0x7], $0x2800, $0x38;
	[tilespmem:$0x1E000] =	vst v63  }
0x4b: {  	_ =	swait.ge [sflag:s25], $0x2800  }
0x4c: {  	[sflag:s25] =	ssyncset.done $0x0  }
0x4d: {  	s14 =	rddreg [dreg:$0xc];
	[sflag:s25] =	ssyncadd.s32 $0xFFFFD800  }
0x4e: {  	[spmem:s14] =	stream.linear.scatter [tilespmem:s24], [sflag:$0x7], $0x2800, $0x38;
	[tilespmem:$0x1E000] =	vst v63  }
0x4f: {  	_ =	swait.ge [sflag:s25], $0x2800  }
0x50: {  	[sflag:s25] =	ssyncset.done $0x0  }
0x51: {  	[sflag:s25] =	ssyncadd.s32 $0xFFFFD800  }
0x52: {  	_ =	swait.ge [sflag:s26], $0x13B0  }
0x53: {  	[sflag:s26] =	ssyncset.done $0x0  }
0x54: {  	[sflag:s26] =	ssyncadd.s32 $0xFFFFEC50  }
0x55: {  	[bflag:$0x0] =	sbarrier.arrive $0xFFFF  }
0x56: {  	_ =	swait.ge [sflag:s20], $0x2800  }
0x57: {  	[sflag:s20] =	ssyncset.done $0x0  }
0x58: {  	[sflag:s20] =	ssyncadd.s32 $0xFFFFD800  }
0x59: {  	[spmem:s3] =	stream.indirect.scatter.add.f32 [tilespmem:s22], [sflag:$0x4], $0x80, s19, s21, $0xb8;
	[tilespmem:$0x1E000] =	vst v63  }
0x5a: {  	_ = 	snop  }
0x5b: {  	[tilespmem:s24], [sflag:$0x3] =	stream.indirect.gather [hbm4b:s1+s21], $0x80, s28, s21, $0xb8;
	[tilespmem:$0x1E000] =	vst v63  }
0x5c: {  	_ =	swait.ge [sflag:s29], $0x2800  }
0x5d: {  	[sflag:s29] =	ssyncset.done $0x0  }
0x5e: {  	[sflag:s29] =	ssyncadd.s32 $0xFFFFD800  }
0x5f: {  	[spmem:s3] =	stream.indirect.scatter.add.f32 [tilespmem:s23], [sflag:$0x5], $0x80, s30, s21, $0xb8;
	[tilespmem:$0x1E000] =	vst v63  }
0x60: {  	_ =	swait.ge [sflag:s31], $0x2800  }
0x61: {  	[sflag:s31] =	ssyncset.done $0x0  }
0x62: {  	[sflag:s31] =	ssyncadd.s32 $0xFFFFD800  }
0x63: {  	[tilespmem:s22], [sflag:$0x1] =	stream.indirect.gather [hbm4b:s1+s21], $0x80, s2, s21, $0xb8;
	[tilespmem:$0x1E000] =	vst v63  }
0x64: {  	_ =	swait.ge [sflag:s0], $0x2800  }
0x65: {  	[sflag:s0] =	ssyncset.done $0x0  }
0x66: {  	[sflag:s0] =	ssyncadd.s32 $0xFFFFD800  }
0x67: {  	[spmem:s3] =	stream.indirect.scatter.add.f32 [tilespmem:s24], [sflag:$0x6], $0x80, s7, s21, $0xb8;
	[tilespmem:$0x1E000] =	vst v63  }
0x68: {  	_ =	swait.ge [sflag:s8], $0x2800  }
0x69: {  	[sflag:s8] =	ssyncset.done $0x0  }
0x6a: {  	[sflag:s8] =	ssyncadd.s32 $0xFFFFD800  }
0x6b: {  	[tilespmem:s23], [sflag:$0x2] =	stream.indirect.gather [hbm4b:s1+s21], $0x80, s9, s21, $0xb8;
	[tilespmem:$0x1E000] =	vst v63  }
0x6c: {  	_ =	swait.ge [sflag:s20], $0x2800  }
0x6d: {  	[sflag:s20] =	ssyncset.done $0x0  }
0x6e: {  	s15 =	simm.s32 $0x14F0;
	[sflag:s20] =	ssyncadd.s32 $0xFFFFD800  }
0x6f: {  	[spmem:s3] =	stream.indirect.scatter.add.f32 [tilespmem:s22], [sflag:$0x4], $0x80, s15, s21, $0xb8;
	[tilespmem:$0x1E000] =	vst v63  }
0x70: {  	_ =	swait.ge [sflag:s26], $0x2800  }
0x71: {  	[sflag:s26] =	ssyncset.done $0x0  }
0x72: {  	s14 =	simm.s32 $0x190;
	[sflag:s26] =	ssyncadd.s32 $0xFFFFD800  }
0x73: {  	[tilespmem:s24], [sflag:$0x3] =	stream.indirect.gather [hbm4b:s1+s21], $0x80, s14, s21, $0xb8;
	[tilespmem:$0x1E000] =	vst v63  }
0x74: {  	_ =	swait.ge [sflag:s29], $0x2800  }
0x75: {  	[sflag:s29] =	ssyncset.done $0x0  }
0x76: {  	s15 =	simm.s32 $0x1540;
	[sflag:s29] =	ssyncadd.s32 $0xFFFFD800  }
0x77: {  	[spmem:s3] =	stream.indirect.scatter.add.f32 [tilespmem:s23], [sflag:$0x5], $0x80, s15, s21, $0xb8;
	[tilespmem:$0x1E000] =	vst v63  }
0x78: {  	_ =	swait.ge [sflag:s31], $0x2800  }
0x79: {  	[sflag:s31] =	ssyncset.done $0x0  }
0x7a: {  	s14 =	simm.s32 $0x1E0;
	[sflag:s31] =	ssyncadd.s32 $0xFFFFD800  }
0x7b: {  	[tilespmem:s22], [sflag:$0x1] =	stream.indirect.gather [hbm4b:s1+s21], $0x80, s14, s21, $0xb8;
	[tilespmem:$0x1E000] =	vst v63  }
0x7c: {  	_ =	swait.ge [sflag:s0], $0x2800  }
0x7d: {  	[sflag:s0] =	ssyncset.done $0x0  }
0x7e: {  	s15 =	simm.s32 $0x1590;
	[sflag:s0] =	ssyncadd.s32 $0xFFFFD800  }
0x7f: {  	[spmem:s3] =	stream.indirect.scatter.add.f32 [tilespmem:s24], [sflag:$0x6], $0x80, s15, s21, $0xb8;
	[tilespmem:$0x1E000] =	vst v63  }
0x80: {  	_ =	swait.ge [sflag:s8], $0x2800  }
0x81: {  	[sflag:s8] =	ssyncset.done $0x0  }
0x82: {  	s13 =	simm.s32 $0x3C0;
	s14 =	simm.s32 $0x230;
	[sflag:s8] =	ssyncadd.s32 $0xFFFFD800  }
.LBB2_4:
0x83: {  	[tilespmem:s23], [sflag:$0x2] =	stream.indirect.gather [hbm4b:s1+s21], $0x80, s14, s21, $0xb8;
	[tilespmem:$0x1E000] =	vst v63  }
0x84: {  	s14 =	smov.u32 s13  }
0x85: {  	p0 =	sne.s32 s13, $0x4380;
	s13 =	sadd.s32 $0x3C0, s13;
	_ =	swait.ge [sflag:s20], $0x2800  }
0x86: {  	s14 =	sshra.s32 s14, $0x2;
	[sflag:s20] =	ssyncset.done $0x0  }
0x87: {  	s15 =	sadd.s32 $0x14F0, s14;
	[sflag:s20] =	ssyncadd.s32 $0xFFFFD800  }
0x88: {  	[spmem:s3] =	stream.indirect.scatter.add.f32 [tilespmem:s22], [sflag:$0x4], $0x80, s15, s21, $0xb8;
	[tilespmem:$0x1E000] =	vst v63  }
0x89: {  	_ =	swait.ge [sflag:s26], $0x2800  }
0x8a: {  	[sflag:s26] =	ssyncset.done $0x0  }
0x8b: {  	s15 =	sadd.s32 $0x190, s14;
	[sflag:s26] =	ssyncadd.s32 $0xFFFFD800  }
0x8c: {  	[tilespmem:s24], [sflag:$0x3] =	stream.indirect.gather [hbm4b:s1+s21], $0x80, s15, s21, $0xb8;
	[tilespmem:$0x1E000] =	vst v63  }
0x8d: {  	_ =	swait.ge [sflag:s29], $0x2800  }
0x8e: {  	[sflag:s29] =	ssyncset.done $0x0  }
0x8f: {  	s15 =	sadd.s32 $0x1540, s14;
	[sflag:s29] =	ssyncadd.s32 $0xFFFFD800  }
0x90: {  	[spmem:s3] =	stream.indirect.scatter.add.f32 [tilespmem:s23], [sflag:$0x5], $0x80, s15, s21, $0xb8;
	[tilespmem:$0x1E000] =	vst v63  }
0x91: {  	_ =	swait.ge [sflag:s31], $0x2800  }
0x92: {  	[sflag:s31] =	ssyncset.done $0x0  }
0x93: {  	s15 =	sadd.s32 $0x1E0, s14;
	[sflag:s31] =	ssyncadd.s32 $0xFFFFD800  }
0x94: {  	[tilespmem:s22], [sflag:$0x1] =	stream.indirect.gather [hbm4b:s1+s21], $0x80, s15, s21, $0xb8;
	[tilespmem:$0x1E000] =	vst v63  }
0x95: {  	_ =	swait.ge [sflag:s0], $0x2800  }
0x96: {  	[sflag:s0] =	ssyncset.done $0x0  }
.Ltmp1:
0x97: {  	s15 =	sadd.s32 $0x1590, s14;
	[sflag:s0] =	ssyncadd.s32 $0xFFFFD800;
	(pc) =	sbr.rel @p0 .LBB2_4-.Ltmp1, $4  }
0x98: {  	[spmem:s3] =	stream.indirect.scatter.add.f32 [tilespmem:s24], [sflag:$0x6], $0x80, s15, s21, $0xb8;
	[tilespmem:$0x1E000] =	vst v63  }
0x99: {  	_ =	swait.ge [sflag:s8], $0x2800  }
0x9a: {  	[sflag:s8] =	ssyncset.done $0x0  }
0x9b: {  	s14 =	sadd.s32 $0x230, s14;
	[sflag:s8] =	ssyncadd.s32 $0xFFFFD800  }
0x9c: {  	[tilespmem:s23], [sflag:$0x2] =	stream.indirect.gather [hbm4b:s1+s21], $0x80, s14, s21, $0xb8;
	[tilespmem:$0x1E000] =	vst v63  }
0x9d: {  	_ =	swait.ge [sflag:s20], $0x2800  }
0x9e: {  	[sflag:s20] =	ssyncset.done $0x0  }
0x9f: {  	[sflag:s20] =	ssyncadd.s32 $0xFFFFD800  }
0xa0: {  	[spmem:s3] =	stream.indirect.scatter.add.f32 [tilespmem:s22], [sflag:$0x4], $0x80, s10, s21, $0xb8;
	[tilespmem:$0x1E000] =	vst v63  }
0xa1: {  	_ =	swait.ge [sflag:s26], $0x2800  }
0xa2: {  	[sflag:s26] =	ssyncset.done $0x0  }
0xa3: {  	s13 =	simm.s32 $0x1360;
	[sflag:s26] =	ssyncadd.s32 $0xFFFFD800  }
0xa4: {  	[tilespmem:s24], [sflag:$0x3] =	stream.indirect.gather [hbm4b:s1+s21], $0x80, s13, s21, $0xb8;
	[tilespmem:$0x1E000] =	vst v63  }
0xa5: {  	_ =	swait.ge [sflag:s29], $0x2800  }
0xa6: {  	[sflag:s29] =	ssyncset.done $0x0  }
0xa7: {  	[sflag:s29] =	ssyncadd.s32 $0xFFFFD800  }
0xa8: {  	[spmem:s3] =	stream.indirect.scatter.add.f32 [tilespmem:s23], [sflag:$0x5], $0x80, s11, s21, $0xb8;
	[tilespmem:$0x1E000] =	vst v63  }
0xa9: {  	_ =	swait.ge [sflag:s0], $0x2800  }
0xaa: {  	[sflag:s0] =	ssyncset.done $0x0  }
0xab: {  	s14 =	simm.s32 $0x2760;
	[sflag:s0] =	ssyncadd.s32 $0xFFFFD800  }
0xac: {  	[spmem:s3] =	stream.indirect.scatter.add.f32 [tilespmem:s24], [sflag:$0x6], $0x80, s14, s21, $0xb8;
	[tilespmem:$0x1E000] =	vst v63  }
0xad: {  	_ =	swait.ge [sflag:s31], $0x2800  }
0xae: {  	[sflag:s31] =	ssyncset.done $0x0  }
0xaf: {  	[sflag:s31] =	ssyncadd.s32 $0xFFFFD800  }
0xb0: {  	_ =	swait.ge [sflag:s8], $0x2800  }
0xb1: {  	[sflag:s8] =	ssyncset.done $0x0  }
0xb2: {  	[sflag:s8] =	ssyncadd.s32 $0xFFFFD800  }
0xb3: {  	_ =	swait.ge [sflag:s26], $0x2800  }
0xb4: {  	[sflag:s26] =	ssyncset.done $0x0  }
0xb5: {  	s13 =	simm.s32 $0x0;
	s15 =	rddreg [dreg:$0xd];
	[sflag:s26] =	ssyncadd.s32 $0xFFFFD800  }
0xb6: {  	[tilespmem:s13], [sflag:$0x1] =	stream.linear.gather [hbm4b:s15+s13], $0x1360, $0x38;
	[tilespmem:$0x1E000] =	vst v63  }
0xb7: {  	_ = 	snop  }
0xb8: {  	[tilespmem:s19], [sflag:$0x6] =	stream.linear.gather [hbm4b:s16+s13], $0x1360, $0x38;
	[tilespmem:$0x1E000] =	vst v63  }
0xb9: {  	_ =	swait.ge [sflag:s20], $0x1360  }
0xba: {  	[sflag:s20] =	ssyncset.done $0x0  }
0xbb: {  	[sflag:s20] =	ssyncadd.s32 $0xFFFFECA0  }
0xbc: {  	[tilespmem:s22], [sflag:$0x1] =	stream.indirect.gather [hbm4b:s1+s21], $0x80, s13, s21, $0xb8;
	[tilespmem:$0x1E000] =	vst v63  }
0xbd: {  	_ = 	snop  }
0xbe: {  	[tilespmem:s23], [sflag:$0x2] =	stream.indirect.gather [hbm4b:s1+s21], $0x80, s21, s21, $0xb8;
	[tilespmem:$0x1E000] =	vst v63  }
0xbf: {  	_ =	swait.ge [sflag:s26], $0x1360  }
0xc0: {  	[sflag:s26] =	ssyncset.done $0x0  }
0xc1: {  	[sflag:s26] =	ssyncadd.s32 $0xFFFFECA0  }
0xc2: {  	_ =	swait.ge [sflag:s20], $0x2800  }
0xc3: {  	[sflag:s20] =	ssyncset.done $0x0  }
0xc4: {  	[sflag:s20] =	ssyncadd.s32 $0xFFFFD800  }
0xc5: {  	[spmem:s3] =	stream.indirect.scatter.add.f32 [tilespmem:s22], [sflag:$0x4], $0x80, s19, s21, $0xb8;
	[tilespmem:$0x1E000] =	vst v63  }
0xc6: {  	_ = 	snop  }
0xc7: {  	[tilespmem:s24], [sflag:$0x3] =	stream.indirect.gather [hbm4b:s1+s21], $0x80, s28, s21, $0xb8;
	[tilespmem:$0x1E000] =	vst v63  }
0xc8: {  	_ =	swait.ge [sflag:s29], $0x2800  }
0xc9: {  	[sflag:s29] =	ssyncset.done $0x0  }
0xca: {  	[sflag:s29] =	ssyncadd.s32 $0xFFFFD800  }
0xcb: {  	[spmem:s3] =	stream.indirect.scatter.add.f32 [tilespmem:s23], [sflag:$0x5], $0x80, s30, s21, $0xb8;
	[tilespmem:$0x1E000] =	vst v63  }
0xcc: {  	_ =	swait.ge [sflag:s31], $0x2800  }
0xcd: {  	[sflag:s31] =	ssyncset.done $0x0  }
0xce: {  	[sflag:s31] =	ssyncadd.s32 $0xFFFFD800  }
0xcf: {  	[tilespmem:s22], [sflag:$0x1] =	stream.indirect.gather [hbm4b:s1+s21], $0x80, s2, s21, $0xb8;
	[tilespmem:$0x1E000] =	vst v63  }
0xd0: {  	_ =	swait.ge [sflag:s0], $0x2800  }
0xd1: {  	[sflag:s0] =	ssyncset.done $0x0  }
0xd2: {  	[sflag:s0] =	ssyncadd.s32 $0xFFFFD800  }
0xd3: {  	[spmem:s3] =	stream.indirect.scatter.add.f32 [tilespmem:s24], [sflag:$0x6], $0x80, s7, s21, $0xb8;
	[tilespmem:$0x1E000] =	vst v63  }
0xd4: {  	_ =	swait.ge [sflag:s8], $0x2800  }
0xd5: {  	[sflag:s8] =	ssyncset.done $0x0  }
0xd6: {  	[sflag:s8] =	ssyncadd.s32 $0xFFFFD800  }
0xd7: {  	[tilespmem:s23], [sflag:$0x2] =	stream.indirect.gather [hbm4b:s1+s21], $0x80, s9, s21, $0xb8;
	[tilespmem:$0x1E000] =	vst v63  }
0xd8: {  	_ =	swait.ge [sflag:s20], $0x2800  }
0xd9: {  	[sflag:s20] =	ssyncset.done $0x0  }
0xda: {  	s15 =	simm.s32 $0x14F0;
	[sflag:s20] =	ssyncadd.s32 $0xFFFFD800  }
0xdb: {  	[spmem:s3] =	stream.indirect.scatter.add.f32 [tilespmem:s22], [sflag:$0x4], $0x80, s15, s21, $0xb8;
	[tilespmem:$0x1E000] =	vst v63  }
0xdc: {  	_ =	swait.ge [sflag:s26], $0x2800  }
0xdd: {  	[sflag:s26] =	ssyncset.done $0x0  }
0xde: {  	s14 =	simm.s32 $0x190;
	[sflag:s26] =	ssyncadd.s32 $0xFFFFD800  }
0xdf: {  	[tilespmem:s24], [sflag:$0x3] =	stream.indirect.gather [hbm4b:s1+s21], $0x80, s14, s21, $0xb8;
	[tilespmem:$0x1E000] =	vst v63  }
0xe0: {  	_ =	swait.ge [sflag:s29], $0x2800  }
0xe1: {  	[sflag:s29] =	ssyncset.done $0x0  }
0xe2: {  	s15 =	simm.s32 $0x1540;
	[sflag:s29] =	ssyncadd.s32 $0xFFFFD800  }
0xe3: {  	[spmem:s3] =	stream.indirect.scatter.add.f32 [tilespmem:s23], [sflag:$0x5], $0x80, s15, s21, $0xb8;
	[tilespmem:$0x1E000] =	vst v63  }
0xe4: {  	_ =	swait.ge [sflag:s31], $0x2800  }
0xe5: {  	[sflag:s31] =	ssyncset.done $0x0  }
0xe6: {  	s14 =	simm.s32 $0x1E0;
	[sflag:s31] =	ssyncadd.s32 $0xFFFFD800  }
0xe7: {  	[tilespmem:s22], [sflag:$0x1] =	stream.indirect.gather [hbm4b:s1+s21], $0x80, s14, s21, $0xb8;
	[tilespmem:$0x1E000] =	vst v63  }
0xe8: {  	_ =	swait.ge [sflag:s0], $0x2800  }
0xe9: {  	[sflag:s0] =	ssyncset.done $0x0  }
0xea: {  	s15 =	simm.s32 $0x1590;
	[sflag:s0] =	ssyncadd.s32 $0xFFFFD800  }
0xeb: {  	[spmem:s3] =	stream.indirect.scatter.add.f32 [tilespmem:s24], [sflag:$0x6], $0x80, s15, s21, $0xb8;
	[tilespmem:$0x1E000] =	vst v63  }
0xec: {  	_ =	swait.ge [sflag:s8], $0x2800  }
0xed: {  	[sflag:s8] =	ssyncset.done $0x0  }
0xee: {  	s13 =	simm.s32 $0x3C0;
	s14 =	simm.s32 $0x230;
	[sflag:s8] =	ssyncadd.s32 $0xFFFFD800  }
.LBB2_6:
0xef: {  	[tilespmem:s23], [sflag:$0x2] =	stream.indirect.gather [hbm4b:s1+s21], $0x80, s14, s21, $0xb8;
	[tilespmem:$0x1E000] =	vst v63  }
0xf0: {  	s14 =	smov.u32 s13  }
0xf1: {  	p0 =	sne.s32 s13, $0x4380;
	s13 =	sadd.s32 $0x3C0, s13;
	_ =	swait.ge [sflag:s20], $0x2800  }
0xf2: {  	s14 =	sshra.s32 s14, $0x2;
	[sflag:s20] =	ssyncset.done $0x0  }
0xf3: {  	s15 =	sadd.s32 $0x14F0, s14;
	[sflag:s20] =	ssyncadd.s32 $0xFFFFD800  }
0xf4: {  	[spmem:s3] =	stream.indirect.scatter.add.f32 [tilespmem:s22], [sflag:$0x4], $0x80, s15, s21, $0xb8;
	[tilespmem:$0x1E000] =	vst v63  }
0xf5: {  	_ =	swait.ge [sflag:s26], $0x2800  }
0xf6: {  	[sflag:s26] =	ssyncset.done $0x0  }
0xf7: {  	s15 =	sadd.s32 $0x190, s14;
	[sflag:s26] =	ssyncadd.s32 $0xFFFFD800  }
0xf8: {  	[tilespmem:s24], [sflag:$0x3] =	stream.indirect.gather [hbm4b:s1+s21], $0x80, s15, s21, $0xb8;
	[tilespmem:$0x1E000] =	vst v63  }
0xf9: {  	_ =	swait.ge [sflag:s29], $0x2800  }
0xfa: {  	[sflag:s29] =	ssyncset.done $0x0  }
0xfb: {  	s15 =	sadd.s32 $0x1540, s14;
	[sflag:s29] =	ssyncadd.s32 $0xFFFFD800  }
0xfc: {  	[spmem:s3] =	stream.indirect.scatter.add.f32 [tilespmem:s23], [sflag:$0x5], $0x80, s15, s21, $0xb8;
	[tilespmem:$0x1E000] =	vst v63  }
0xfd: {  	_ =	swait.ge [sflag:s31], $0x2800  }
0xfe: {  	[sflag:s31] =	ssyncset.done $0x0  }
0xff: {  	s15 =	sadd.s32 $0x1E0, s14;
	[sflag:s31] =	ssyncadd.s32 $0xFFFFD800  }
0x100: {  	[tilespmem:s22], [sflag:$0x1] =	stream.indirect.gather [hbm4b:s1+s21], $0x80, s15, s21, $0xb8;
	[tilespmem:$0x1E000] =	vst v63  }
0x101: {  	_ =	swait.ge [sflag:s0], $0x2800  }
0x102: {  	[sflag:s0] =	ssyncset.done $0x0  }
.Ltmp2:
0x103: {  	s15 =	sadd.s32 $0x1590, s14;
	[sflag:s0] =	ssyncadd.s32 $0xFFFFD800;
	(pc) =	sbr.rel @p0 .LBB2_6-.Ltmp2, $4  }
0x104: {  	[spmem:s3] =	stream.indirect.scatter.add.f32 [tilespmem:s24], [sflag:$0x6], $0x80, s15, s21, $0xb8;
	[tilespmem:$0x1E000] =	vst v63  }
0x105: {  	_ =	swait.ge [sflag:s8], $0x2800  }
0x106: {  	[sflag:s8] =	ssyncset.done $0x0  }
0x107: {  	s14 =	sadd.s32 $0x230, s14;
	[sflag:s8] =	ssyncadd.s32 $0xFFFFD800  }
0x108: {  	[tilespmem:s23], [sflag:$0x2] =	stream.indirect.gather [hbm4b:s1+s21], $0x80, s14, s21, $0xb8;
	[tilespmem:$0x1E000] =	vst v63  }
0x109: {  	_ =	swait.ge [sflag:s20], $0x2800  }
0x10a: {  	[sflag:s20] =	ssyncset.done $0x0  }
0x10b: {  	[sflag:s20] =	ssyncadd.s32 $0xFFFFD800  }
0x10c: {  	[spmem:s3] =	stream.indirect.scatter.add.f32 [tilespmem:s22], [sflag:$0x4], $0x80, s10, s21, $0xb8;
	[tilespmem:$0x1E000] =	vst v63  }
0x10d: {  	_ =	swait.ge [sflag:s29], $0x2800  }
0x10e: {  	[sflag:s29] =	ssyncset.done $0x0  }
0x10f: {  	[sflag:s29] =	ssyncadd.s32 $0xFFFFD800  }
0x110: {  	[spmem:s3] =	stream.indirect.scatter.add.f32 [tilespmem:s23], [sflag:$0x5], $0x80, s11, s21, $0xb8;
	[tilespmem:$0x1E000] =	vst v63  }
0x111: {  	_ =	swait.ge [sflag:s26], $0x2800  }
0x112: {  	[sflag:s26] =	ssyncset.done $0x0  }
0x113: {  	[sflag:s26] =	ssyncadd.s32 $0xFFFFD800  }
0x114: {  	_ =	swait.ge [sflag:s31], $0x2800  }
0x115: {  	[sflag:s31] =	ssyncset.done $0x0  }
0x116: {  	[sflag:s31] =	ssyncadd.s32 $0xFFFFD800  }
0x117: {  	s13 =	stileid.u32;
	_ =	swait.ge [sflag:s8], $0x2800  }
0x118: {  	s15 =	sshrl.u32 s6, $0x3;
	s12 =	sadd.s32 $0x1, s12;
	[sflag:s8] =	ssyncset.done $0x0  }
0x119: {  	s13 =	sshll.u32 s13, $0x6;
	p0 =	sne.s32 s12, s17;
	[sflag:s8] =	ssyncadd.s32 $0xFFFFD800  }
.Ltmp3:
0x11a: {  	s13 =	sor.u32 $0x1C07, s13;
	[bflag:$0x0] =	sbarrier.arrive $0xFFFF;
	(pc) =	sbr.rel @p0 .LBB2_1-.Ltmp3, $4  }
0x11b: {  	[hbm:s18], [sflag:s13] =	dma.local [spmem:s15], $0x2800  }
0x11c: {  	_ =	swait.ge [sflag:s25], $0x2800  }
0x11d: {  	[sflag:s25] =	ssyncset.done $0x0  }
0x11e: {  	[sflag:s25] =	ssyncadd.s32 $0xFFFFD800  }
0x11f: {  	_ =	sfence.sel $0x180000  }
0x120: {  	[bflag:$0x0] =	sbarrier.arrive $0xFFFF  }
0x121: {  	_ =	strace $0x90000047  }
0x122: {  	s0 =	stileid.u32;
	[bflag:$0x2] =	sbarrier.arrive $0xFFFF  }
0x123: {  	p0 =	sne.s32 s0, $0x0;
	s0 =	rddreg [dreg:$0x4]  }
0x124: {  	s0 =	sadd.s32 @!p0 $0x100000, s0  }
0x125: {  	[sflag:s0] =	ssyncadd.tile.s32 @!p0 $0x1;
	_ =	shalt  }
.Lfunc_end2:
_tile_overlayer_lowered:
.L_overlay_start_2:
0x126: {  	(tag) =	ssettag $0x2  }
0x127: {  	s0 =	rddreg [dreg:$0x0];
	s2 =	stileid.u32  }
0x128: {  	s1 =	rddreg [dreg:$0x1];
	p0 =	sne.s32 s2, $0x0  }
0x129: {  	s3 =	rddreg [dreg:$0x2];
	[bflag:$0x3] =	sbarrier.arrive $0xFFFF;
	s2 =	simm.s32 @!p0 $0x1C07  }
0x12a: {  	[timem:s3], [sflag:s2] =	dma.local @!p0 [hbm:s0], s1  }
0x12b: {  	s0 =	simm.s32 @!p0 $0x7  }
0x12c: {  	_ =	swait.ge @!p0 [sflag:s0], s1  }
0x12d: {  	s1 =	ssub.s32 @!p0 $0x0, s1;
	[sflag:s0] =	ssyncset.done @!p0 $0x0  }
0x12e: {  	[sflag:s0] =	ssyncadd.s32 @!p0 s1  }
0x12f: {  	[bflag:$0x3] =	sbarrier.arrive $0xFFFF  }
0x130: {  	_ =	shalt  }

</sc_bundles>
